<compile_context>
chip_gen: v7x
topology: tpu7x:2x2x1
jax: 0.10.2.dev20260603
libtpu: 0.0.44.dev20260713+nightly
codegen_flags: <defaults>
</compile_context>

<pallas_src>
import functools

import jax
import jax.numpy as jnp
from jax import lax
from jax.experimental import pallas as pl
from jax.experimental.pallas import tpu as pltpu
from jax.experimental.pallas import tpu_sc as plsc

_NUM_GROUP = 512
_GROUP_SIZE = 32
_B = 8
_N = 8192
_GT = 128


def _fps_body(xt_ref, cx_ref, cy_ref, cz_ref, dist_ref):
    x = xt_ref[0]
    y = xt_ref[1]
    z = xt_ref[2]
    iota = jax.lax.broadcasted_iota(jnp.int32, (_B, _N), 1)
    g_iota = jax.lax.broadcasted_iota(jnp.int32, (_B, _NUM_GROUP), 1)

    def body(i, state):
        farthest, cxa, cya, cza = state
        onehot = iota == farthest
        cx = jnp.sum(jnp.where(onehot, x, 0.0), axis=1, keepdims=True)
        cy = jnp.sum(jnp.where(onehot, y, 0.0), axis=1, keepdims=True)
        cz = jnp.sum(jnp.where(onehot, z, 0.0), axis=1, keepdims=True)
        sel = g_iota == i
        cxa = jnp.where(sel, cx, cxa)
        cya = jnp.where(sel, cy, cya)
        cza = jnp.where(sel, cz, cza)
        dx = x - cx
        dy = y - cy
        dz = z - cz
        d = dx * dx + dy * dy + dz * dz
        dmin = jnp.minimum(dist_ref[...], d)
        dist_ref[...] = dmin
        m = jnp.max(dmin, axis=1, keepdims=True)
        far = jnp.min(jnp.where(dmin == m, iota, _N), axis=1, keepdims=True)
        return (far, cxa, cya, cza)

    dist_ref[...] = jnp.full((_B, _N), 1e10, jnp.float32)
    far0 = jnp.zeros((_B, 1), jnp.int32)
    zc = jnp.zeros((_B, _NUM_GROUP), jnp.float32)
    _, cxa, cya, cza = jax.lax.fori_loop(0, _NUM_GROUP, body,
                                         (far0, zc, zc, zc))
    cx_ref[...] = cxa
    cy_ref[...] = cya
    cz_ref[...] = cza


def _fps_centers(xyz):
    xt = jnp.transpose(xyz, (2, 0, 1))
    cx, cy, cz = pl.pallas_call(
        _fps_body,
        out_shape=[jax.ShapeDtypeStruct((_B, _NUM_GROUP), jnp.float32)] * 3,
        scratch_shapes=[pltpu.VMEM((_B, _N), jnp.float32)],
    )(xt)
    return jnp.stack([cx, cy, cz], axis=-1)


def _knn_body(ct_ref, xt_ref, idx_ref, d_ref):
    c = ct_ref[0]
    xm = xt_ref[0]
    xc = jax.lax.dot_general(
        c, xm, (((1,), (0,)), ((), ())),
        precision=jax.lax.Precision.DEFAULT,
        preferred_element_type=jnp.float32)
    cx = c[:, 0:1]
    cy = c[:, 1:2]
    cz = c[:, 2:3]
    x = xm[0:1, :]
    y = xm[1:2, :]
    z = xm[2:3, :]
    sc = (cx * cx + cy * cy) + cz * cz
    sx = (x * x + y * y) + z * z
    d_ref[...] = ((-2.0 * xc) + sc) + sx

    iota = jax.lax.broadcasted_iota(jnp.int32, (_GT, _N), 1)
    k_iota = jax.lax.broadcasted_iota(jnp.int32, (_GT, _GROUP_SIZE), 1)
    idx_ref[...] = jnp.zeros((1, _GT, _GROUP_SIZE), jnp.int32)

    def body(k, _):
        d = d_ref[...]
        m = jnp.min(d, axis=1, keepdims=True)
        am = jnp.min(jnp.where(d == m, iota, _N), axis=1, keepdims=True)
        idx_ref[...] = (idx_ref[...] +
                        ((k_iota == k).astype(jnp.int32) * am)[None])
        d_ref[...] = jnp.where(iota == am, jnp.inf, d)
        return 0

    jax.lax.fori_loop(0, _GROUP_SIZE, body, 0)


def _knn_idx(center, xyz):
    xt = jnp.transpose(xyz, (0, 2, 1))
    return pl.pallas_call(
        _knn_body,
        grid=(_B, _NUM_GROUP // _GT),
        in_specs=[
            pl.BlockSpec((1, _GT, 3), lambda b, g: (b, g, 0)),
            pl.BlockSpec((1, 3, _N), lambda b, g: (b, 0, 0)),
        ],
        out_specs=pl.BlockSpec((1, _GT, _GROUP_SIZE), lambda b, g: (b, g, 0)),
        out_shape=jax.ShapeDtypeStruct((_B, _NUM_GROUP, _GROUP_SIZE),
                                       jnp.int32),
        scratch_shapes=[pltpu.VMEM((_GT, _N), jnp.float32)],
    )(center, xt)


_D = 128
_NW = 32
_GPW = (_B * _NUM_GROUP) // _NW


def _sc_gather(table, idxg, ctrp):
    mesh = plsc.VectorSubcoreMesh(core_axis_name="c", subcore_axis_name="s")

    @functools.partial(
        pl.kernel,
        mesh=mesh,
        out_type=jax.ShapeDtypeStruct((_B * _NUM_GROUP * _GROUP_SIZE * 3,),
                                      jnp.float32),
        scratch_types=[
            pltpu.VMEM((_GROUP_SIZE,), jnp.int32),
            pltpu.VMEM((_GROUP_SIZE, _D), jnp.float32),
            pltpu.VMEM((1, _D), jnp.float32),
            pltpu.VMEM((128,), jnp.float32),
            pltpu.SemaphoreType.DMA,
        ],
    )
    def k(table_hbm, idxg_hbm, ctr_hbm, out_hbm, idx_v, rows_v, ctr_v,
          outb_v, sem):
        wid = lax.axis_index("s") * 2 + lax.axis_index("c")
        lane = lax.iota(jnp.int32, 16)
        cmask = lane < 3

        def body(g, _):
            gidx = wid * _GPW + g
            pltpu.sync_copy(idxg_hbm.at[pl.ds(gidx * _GROUP_SIZE,
                                              _GROUP_SIZE)], idx_v)
            pltpu.async_copy(table_hbm.at[idx_v], rows_v, sem).wait()
            pltpu.sync_copy(ctr_hbm.at[pl.ds(gidx, 1)], ctr_v)
            c = ctr_v[0, pl.ds(0, 16)]
            for kk in range(_GROUP_SIZE):
                row = rows_v[kk, pl.ds(0, 16)]
                outb_v[pl.ds(3 * kk, 16)] = row - c
            pltpu.sync_copy(outb_v.at[pl.ds(0, _GROUP_SIZE * 3)],
                            out_hbm.at[pl.ds(gidx * _GROUP_SIZE * 3,
                                             _GROUP_SIZE * 3)])
            return 0

        lax.fori_loop(0, _GPW, body, 0)

    return k(table, idxg, ctrp)


def kernel(xyz):
    center = _fps_centers(xyz)
    idx = _knn_idx(center, xyz)
    table = jnp.pad(xyz.reshape(_B * _N, 3), ((0, 0), (0, _D - 3)))
    ctrp = jnp.pad(center.reshape(_B * _NUM_GROUP, 3), ((0, 0), (0, _D - 3)))
    base = (jnp.arange(_B, dtype=jnp.int32) * _N)[:, None, None]
    idxg = (idx + base).reshape(_B * _NUM_GROUP * _GROUP_SIZE)
    flat = _sc_gather(table, idxg, ctrp)
    neighborhood = flat.reshape(_B, _NUM_GROUP, _GROUP_SIZE, 3)
    return (neighborhood, center)

# --- scband reference (transcript-rebuilt; emitter-appended) ---
"""Pipeline reference for scband-group-68805376082229 (READ-ONLY COPY).

The authoritative reference and input builder live on the scoring server;
editing this copy changes nothing except your own understanding.
"""

import jax, jax.numpy as jnp
import numpy as np

NUM_GROUP = 512
GROUP_SIZE = 32


def setup_inputs(seed: int = 0):
    key = jax.random.key(seed)
    xyz = jax.random.uniform(key, (8, 8192, 3), dtype=jnp.float32)
    return {"xyz": xyz}


def square_distance(src, dst):
    # src: (B, M, 3), dst: (B, N, 3) -> (B, M, N)
    d = -2.0 * jnp.einsum('bmc,bnc->bmn', src, dst)
    d = d + jnp.sum(src ** 2, axis=-1)[:, :, None]
    d = d + jnp.sum(dst ** 2, axis=-1)[:, None, :]
    return d


def index_points(points, idx):
    # points: (B, N, C); idx: (B, ...) int -> (B, ..., C)
    return jax.vmap(lambda p, i: p[i])(points, idx)


def fps(xyz, num_group):
    # farthest point sampling -> (B, num_group) int32 indices
    B, N, _ = xyz.shape

    def body(i, state):
        centroids, distances, farthest = state
        centroids = centroids.at[:, i].set(farthest)
        idx3 = jnp.broadcast_to(farthest[:, None, None], (B, 1, 3))
        centroid_pts = jnp.take_along_axis(xyz, idx3, axis=1)  # (B, 1, 3)
        dist = jnp.sum((xyz - centroid_pts) ** 2, axis=-1)  # (B, N)
        distances = jnp.minimum(distances, dist)
        farthest = jnp.argmax(distances, axis=-1).astype(jnp.int32)
        return (centroids, distances, farthest)

    centroids = jnp.zeros((B, num_group), dtype=jnp.int32)
    distances = jnp.full((B, N), 1e10, dtype=xyz.dtype)
    farthest = jnp.zeros((B,), dtype=jnp.int32)
    centroids, _, _ = jax.lax.fori_loop(0, num_group, body, (centroids, distances, farthest))
    return centroids


def knn_point(k, xyz, new_xyz):
    # xyz: (B, N, 3), new_xyz: (B, G, 3) -> (B, G, k) indices of k nearest points
    dists = square_distance(new_xyz, xyz)  # (B, G, N)
    _, idx = jax.lax.top_k(-dists, k)
    return idx


def reference(xyz):
    center_idx = fps(xyz, NUM_GROUP)              # (B, G)
    center = index_points(xyz, center_idx)        # (B, G, 3)
    idx = knn_point(GROUP_SIZE, xyz, center)      # (B, G, K)
    neighborhood = index_points(xyz, idx)         # (B, G, K, 3)
    neighborhood = neighborhood - center[:, :, None, :]
    return (neighborhood, center)

if __name__ == "__main__":
    import jax
    _d = setup_inputs()
    print(jax.jit(kernel)(*tuple(_d.values())))

</pallas_src>

<mosaic_0001>
#map = affine_map<(d0, d1) -> (0, 0)>
#map1 = affine_map<(d0, d1) -> (0)>
module attributes {stable_mosaic.version = 14 : i64} {
  func.func @k(%arg0: i32, %arg1: i32, %arg2: memref<65536x128xf32, #tpu.memory_space<hbm>>, %arg3: memref<131072xi32, #tpu.memory_space<hbm>>, %arg4: memref<4096x128xf32, #tpu.memory_space<hbm>>, %arg5: memref<393216xf32, #tpu.memory_space<hbm>>, %arg6: memref<32xi32, #tpu.memory_space<vmem>>, %arg7: memref<32x128xf32, #tpu.memory_space<vmem>>, %arg8: memref<1x128xf32, #tpu.memory_space<vmem>>, %arg9: memref<128xf32, #tpu.memory_space<vmem>>, %arg10: memref<!tpu.dma_semaphore, #tpu.memory_space<semaphore_mem>>) attributes {dimension_semantics = [#tpu.dimension_semantics<core_parallel>, #tpu.dimension_semantics<subcore_parallel>], iteration_bounds = array<i64: 2, 16>, scalar_prefetch = 0 : i64, scratch_operands = 5 : i64, tpu.core_type = #tpu.core_type<sc_vector_subcore>, window_params = [{transform_indices = #map}, {transform_indices = #map1}, {transform_indices = #map}, {transform_indices = #map1}]} {
    %mul3A = arith.constant 2 : i32
    %mul3A_0 = arith.muli %arg1, %mul3A : i32
    %add3A = arith.addi %mul3A_0, %arg0 : i32
    %iota3A = tpu.iota {dimensions = array<i32: 0>} : vector<16xi32>
    %lt3A = arith.constant 3 : i32
    %lt3A_1 = vector.broadcast %lt3A : i32 to vector<16xi32>
    %lt3A_2 = arith.cmpi slt, %iota3A, %lt3A_1 : vector<16xi32>
    %scan3A = arith.constant 0 : i32
    %scan3A_3 = arith.constant 0 : i32
    %scan3A_4 = arith.constant 128 : i32
    %scan3A_5 = arith.addi %scan3A_3, %scan3A_4 : i32
    %scan3A_6 = arith.constant 1 : i32
    %scan3A_7 = scf.for %scan3A_9 = %scan3A_3 to %scan3A_5 step %scan3A_6 iter_args(%scan3A_10 = %scan3A) -> (i32)  : i32 {
      %mul3A_11 = arith.constant 128 : i32
      %mul3A_12 = arith.muli %add3A, %mul3A_11 : i32
      %add3A_13 = arith.addi %mul3A_12, %scan3A_9 : i32
      %mul3A_14 = arith.constant 32 : i32
      %mul3A_15 = arith.muli %add3A_13, %mul3A_14 : i32
      "tpu.region"() ({
        %run_scoped3A = tpu.sem_alloc : memref<!tpu.dma_semaphore, #tpu.memory_space<semaphore_mem>>
        %dma_start3A_347 = tpu.memref_slice %arg3[%mul3A_15] : memref<131072xi32, #tpu.memory_space<hbm>> -> memref<32xi32, #tpu.memory_space<hbm>>
        %dma_start3A_348 = tpu.memref_slice %arg3[%mul3A_15] : memref<131072xi32, #tpu.memory_space<hbm>> -> memref<32xi32, #tpu.memory_space<hbm>>
        tpu.enqueue_dma source(%dma_start3A_348 : memref<32xi32, #tpu.memory_space<hbm>>) target(%arg6 : memref<32xi32, #tpu.memory_space<vmem>>) target_semaphore(%run_scoped3A : memref<!tpu.dma_semaphore, #tpu.memory_space<semaphore_mem>>)
        %dma_wait3A_349 = tpu.memref_slice %arg3[%mul3A_15] : memref<131072xi32, #tpu.memory_space<hbm>> -> memref<32xi32, #tpu.memory_space<hbm>>
        %dma_wait3A_350 = tpu.memref_slice %arg3[%mul3A_15] : memref<131072xi32, #tpu.memory_space<hbm>> -> memref<32xi32, #tpu.memory_space<hbm>>
        tpu.wait_dma2 semaphore(%run_scoped3A : memref<!tpu.dma_semaphore, #tpu.memory_space<semaphore_mem>>) src(%dma_wait3A_350 : memref<32xi32, #tpu.memory_space<hbm>>) dst(%arg6 : memref<32xi32, #tpu.memory_space<vmem>>)
        tpu.yield
      }) : () -> ()
      %dma_start3A = arith.constant 0 : i32
      %dma_start3A_16 = arith.constant 0 : i32
      %dma_start3A_17 = tpu.memref_slice %arg2[%dma_start3A, %dma_start3A_16] : memref<65536x128xf32, #tpu.memory_space<hbm>> -> memref<65536x128xf32, #tpu.memory_space<hbm>>
      tpu.enqueue_indirect_dma source(%dma_start3A_17 : memref<65536x128xf32, #tpu.memory_space<hbm>>) target(%arg7 : memref<32x128xf32, #tpu.memory_space<vmem>>) offsets(%arg6 : memref<32xi32, #tpu.memory_space<vmem>>) semaphore(%arg10 : memref<!tpu.dma_semaphore, #tpu.memory_space<semaphore_mem>>)
      %dma_wait3A = arith.constant 0 : i32
      %dma_wait3A_18 = arith.constant 0 : i32
      %dma_wait3A_19 = tpu.memref_slice %arg2[%dma_wait3A, %dma_wait3A_18] : memref<65536x128xf32, #tpu.memory_space<hbm>> -> memref<65536x128xf32, #tpu.memory_space<hbm>>
      tpu.wait_indirect_dma semaphore(%arg10 : memref<!tpu.dma_semaphore, #tpu.memory_space<semaphore_mem>>) src(%dma_wait3A_19 : memref<65536x128xf32, #tpu.memory_space<hbm>>) dst(%arg7 : memref<32x128xf32, #tpu.memory_space<vmem>>)
      "tpu.region"() ({
        %run_scoped3A = tpu.sem_alloc : memref<!tpu.dma_semaphore, #tpu.memory_space<semaphore_mem>>
        %dma_start3A_347 = arith.constant 0 : i32
        %dma_start3A_348 = tpu.memref_slice %arg4[%add3A_13, %dma_start3A_347] : memref<4096x128xf32, #tpu.memory_space<hbm>> -> memref<1x128xf32, #tpu.memory_space<hbm>>
        %dma_start3A_349 = arith.constant 0 : i32
        %dma_start3A_350 = tpu.memref_slice %arg4[%add3A_13, %dma_start3A_349] : memref<4096x128xf32, #tpu.memory_space<hbm>> -> memref<1x128xf32, #tpu.memory_space<hbm>>
        tpu.enqueue_dma source(%dma_start3A_350 : memref<1x128xf32, #tpu.memory_space<hbm>>) target(%arg8 : memref<1x128xf32, #tpu.memory_space<vmem>>) target_semaphore(%run_scoped3A : memref<!tpu.dma_semaphore, #tpu.memory_space<semaphore_mem>>)
        %dma_wait3A_351 = arith.constant 0 : i32
        %dma_wait3A_352 = tpu.memref_slice %arg4[%add3A_13, %dma_wait3A_351] : memref<4096x128xf32, #tpu.memory_space<hbm>> -> memref<1x128xf32, #tpu.memory_space<hbm>>
        %dma_wait3A_353 = arith.constant 0 : i32
        %dma_wait3A_354 = tpu.memref_slice %arg4[%add3A_13, %dma_wait3A_353] : memref<4096x128xf32, #tpu.memory_space<hbm>> -> memref<1x128xf32, #tpu.memory_space<hbm>>
        tpu.wait_dma2 semaphore(%run_scoped3A : memref<!tpu.dma_semaphore, #tpu.memory_space<semaphore_mem>>) src(%dma_wait3A_354 : memref<1x128xf32, #tpu.memory_space<hbm>>) dst(%arg8 : memref<1x128xf32, #tpu.memory_space<vmem>>)
        tpu.yield
      }) : () -> ()
      %get3A = arith.constant 0 : i32
      %get3A_20 = arith.index_cast %get3A : i32 to index
      %get3A_21 = arith.constant 0 : index
      %get3A_22 = tpu.vector_load %arg8[%get3A_20, %get3A_21] {strides = array<i32>} : memref<1x128xf32, #tpu.memory_space<vmem>>, vector<1x16xf32>,
      %get3A_23 = vector.shape_cast %get3A_22 : vector<1x16xf32> to vector<16xf32>
      %get3A_24 = arith.constant 0 : i32
      %get3A_25 = arith.index_cast %get3A_24 : i32 to index
      %get3A_26 = arith.constant 0 : index
      %get3A_27 = tpu.vector_load %arg7[%get3A_25, %get3A_26] {strides = array<i32>} : memref<32x128xf32, #tpu.memory_space<vmem>>, vector<1x16xf32>,
      %get3A_28 = vector.shape_cast %get3A_27 : vector<1x16xf32> to vector<16xf32>
      %sub3A = arith.subf %get3A_28, %get3A_23 : vector<16xf32>
      %swap3A = arith.constant 0 : index
      %swap3A_29 = tpu.vector_load %arg9[%swap3A] {strides = array<i32>} : memref<128xf32, #tpu.memory_space<vmem>>, vector<16xf32>,
      %swap3A_30 = vector.shape_cast %swap3A_29 : vector<16xf32> to vector<16xf32>
      %swap3A_31 = vector.shape_cast %sub3A : vector<16xf32> to vector<16xf32>
      tpu.vector_store %arg9[%swap3A], %swap3A_31 {strides = array<i32>} : memref<128xf32, #tpu.memory_space<vmem>>, vector<16xf32>,
      %get3A_32 = arith.constant 1 : i32
      %get3A_33 = arith.index_cast %get3A_32 : i32 to index
      %get3A_34 = arith.constant 0 : index
      %get3A_35 = tpu.vector_load %arg7[%get3A_33, %get3A_34] {strides = array<i32>} : memref<32x128xf32, #tpu.memory_space<vmem>>, vector<1x16xf32>,
      %get3A_36 = vector.shape_cast %get3A_35 : vector<1x16xf32> to vector<16xf32>
      %sub3A_37 = arith.subf %get3A_36, %get3A_23 : vector<16xf32>
      %swap3A_38 = arith.constant 3 : index
      %swap3A_39 = tpu.vector_load %arg9[%swap3A_38] {strides = array<i32>} : memref<128xf32, #tpu.memory_space<vmem>>, vector<16xf32>,
      %swap3A_40 = vector.shape_cast %swap3A_39 : vector<16xf32> to vector<16xf32>
      %swap3A_41 = vector.shape_cast %sub3A_37 : vector<16xf32> to vector<16xf32>
      tpu.vector_store %arg9[%swap3A_38], %swap3A_41 {strides = array<i32>} : memref<128xf32, #tpu.memory_space<vmem>>, vector<16xf32>,
      %get3A_42 = arith.constant 2 : i32
      %get3A_43 = arith.index_cast %get3A_42 : i32 to index
      %get3A_44 = arith.constant 0 : index
      %get3A_45 = tpu.vector_load %arg7[%get3A_43, %get3A_44] {strides = array<i32>} : memref<32x128xf32, #tpu.memory_space<vmem>>, vector<1x16xf32>,
      %get3A_46 = vector.shape_cast %get3A_45 : vector<1x16xf32> to vector<16xf32>
      %sub3A_47 = arith.subf %get3A_46, %get3A_23 : vector<16xf32>
      %swap3A_48 = arith.constant 6 : index
      %swap3A_49 = tpu.vector_load %arg9[%swap3A_48] {strides = array<i32>} : memref<128xf32, #tpu.memory_space<vmem>>, vector<16xf32>,
      %swap3A_50 = vector.shape_cast %swap3A_49 : vector<16xf32> to vector<16xf32>
      %swap3A_51 = vector.shape_cast %sub3A_47 : vector<16xf32> to vector<16xf32>
      tpu.vector_store %arg9[%swap3A_48], %swap3A_51 {strides = array<i32>} : memref<128xf32, #tpu.memory_space<vmem>>, vector<16xf32>,
      %get3A_52 = arith.constant 3 : i32
      %get3A_53 = arith.index_cast %get3A_52 : i32 to index
      %get3A_54 = arith.constant 0 : index
      %get3A_55 = tpu.vector_load %arg7[%get3A_53, %get3A_54] {strides = array<i32>} : memref<32x128xf32, #tpu.memory_space<vmem>>, vector<1x16xf32>,
      %get3A_56 = vector.shape_cast %get3A_55 : vector<1x16xf32> to vector<16xf32>
      %sub3A_57 = arith.subf %get3A_56, %get3A_23 : vector<16xf32>
      %swap3A_58 = arith.constant 9 : index
      %swap3A_59 = tpu.vector_load %arg9[%swap3A_58] {strides = array<i32>} : memref<128xf32, #tpu.memory_space<vmem>>, vector<16xf32>,
      %swap3A_60 = vector.shape_cast %swap3A_59 : vector<16xf32> to vector<16xf32>
      %swap3A_61 = vector.shape_cast %sub3A_57 : vector<16xf32> to vector<16xf32>
      tpu.vector_store %arg9[%swap3A_58], %swap3A_61 {strides = array<i32>} : memref<128xf32, #tpu.memory_space<vmem>>, vector<16xf32>,
      %get3A_62 = arith.constant 4 : i32
      %get3A_63 = arith.index_cast %get3A_62 : i32 to index
      %get3A_64 = arith.constant 0 : index
      %get3A_65 = tpu.vector_load %arg7[%get3A_63, %get3A_64] {strides = array<i32>} : memref<32x128xf32, #tpu.memory_space<vmem>>, vector<1x16xf32>,
      %get3A_66 = vector.shape_cast %get3A_65 : vector<1x16xf32> to vector<16xf32>
      %sub3A_67 = arith.subf %get3A_66, %get3A_23 : vector<16xf32>
      %swap3A_68 = arith.constant 12 : index
      %swap3A_69 = tpu.vector_load %arg9[%swap3A_68] {strides = array<i32>} : memref<128xf32, #tpu.memory_space<vmem>>, vector<16xf32>,
      %swap3A_70 = vector.shape_cast %swap3A_69 : vector<16xf32> to vector<16xf32>
      %swap3A_71 = vector.shape_cast %sub3A_67 : vector<16xf32> to vector<16xf32>
      tpu.vector_store %arg9[%swap3A_68], %swap3A_71 {strides = array<i32>} : memref<128xf32, #tpu.memory_space<vmem>>, vector<16xf32>,
      %get3A_72 = arith.constant 5 : i32
      %get3A_73 = arith.index_cast %get3A_72 : i32 to index
      %get3A_74 = arith.constant 0 : index
      %get3A_75 = tpu.vector_load %arg7[%get3A_73, %get3A_74] {strides = array<i32>} : memref<32x128xf32, #tpu.memory_space<vmem>>, vector<1x16xf32>,
      %get3A_76 = vector.shape_cast %get3A_75 : vector<1x16xf32> to vector<16xf32>
      %sub3A_77 = arith.subf %get3A_76, %get3A_23 : vector<16xf32>
      %swap3A_78 = arith.constant 15 : index
      %swap3A_79 = tpu.vector_load %arg9[%swap3A_78] {strides = array<i32>} : memref<128xf32, #tpu.memory_space<vmem>>, vector<16xf32>,
      %swap3A_80 = vector.shape_cast %swap3A_79 : vector<16xf32> to vector<16xf32>
      %swap3A_81 = vector.shape_cast %sub3A_77 : vector<16xf32> to vector<16xf32>
      tpu.vector_store %arg9[%swap3A_78], %swap3A_81 {strides = array<i32>} : memref<128xf32, #tpu.memory_space<vmem>>, vector<16xf32>,
      %get3A_82 = arith.constant 6 : i32
      %get3A_83 = arith.index_cast %get3A_82 : i32 to index
      %get3A_84 = arith.constant 0 : index
      %get3A_85 = tpu.vector_load %arg7[%get3A_83, %get3A_84] {strides = array<i32>} : memref<32x128xf32, #tpu.memory_space<vmem>>, vector<1x16xf32>,
      %get3A_86 = vector.shape_cast %get3A_85 : vector<1x16xf32> to vector<16xf32>
      %sub3A_87 = arith.subf %get3A_86, %get3A_23 : vector<16xf32>
      %swap3A_88 = arith.constant 18 : index
      %swap3A_89 = tpu.vector_load %arg9[%swap3A_88] {strides = array<i32>} : memref<128xf32, #tpu.memory_space<vmem>>, vector<16xf32>,
      %swap3A_90 = vector.shape_cast %swap3A_89 : vector<16xf32> to vector<16xf32>
      %swap3A_91 = vector.shape_cast %sub3A_87 : vector<16xf32> to vector<16xf32>
      tpu.vector_store %arg9[%swap3A_88], %swap3A_91 {strides = array<i32>} : memref<128xf32, #tpu.memory_space<vmem>>, vector<16xf32>,
      %get3A_92 = arith.constant 7 : i32
      %get3A_93 = arith.index_cast %get3A_92 : i32 to index
      %get3A_94 = arith.constant 0 : index
      %get3A_95 = tpu.vector_load %arg7[%get3A_93, %get3A_94] {strides = array<i32>} : memref<32x128xf32, #tpu.memory_space<vmem>>, vector<1x16xf32>,
      %get3A_96 = vector.shape_cast %get3A_95 : vector<1x16xf32> to vector<16xf32>
      %sub3A_97 = arith.subf %get3A_96, %get3A_23 : vector<16xf32>
      %swap3A_98 = arith.constant 21 : index
      %swap3A_99 = tpu.vector_load %arg9[%swap3A_98] {strides = array<i32>} : memref<128xf32, #tpu.memory_space<vmem>>, vector<16xf32>,
      %swap3A_100 = vector.shape_cast %swap3A_99 : vector<16xf32> to vector<16xf32>
      %swap3A_101 = vector.shape_cast %sub3A_97 : vector<16xf32> to vector<16xf32>
      tpu.vector_store %arg9[%swap3A_98], %swap3A_101 {strides = array<i32>} : memref<128xf32, #tpu.memory_space<vmem>>, vector<16xf32>,
      %get3A_102 = arith.constant 8 : i32
      %get3A_103 = arith.index_cast %get3A_102 : i32 to index
      %get3A_104 = arith.constant 0 : index
      %get3A_105 = tpu.vector_load %arg7[%get3A_103, %get3A_104] {strides = array<i32>} : memref<32x128xf32, #tpu.memory_space<vmem>>, vector<1x16xf32>,
      %get3A_106 = vector.shape_cast %get3A_105 : vector<1x16xf32> to vector<16xf32>
      %sub3A_107 = arith.subf %get3A_106, %get3A_23 : vector<16xf32>
      %swap3A_108 = arith.constant 24 : index
      %swap3A_109 = tpu.vector_load %arg9[%swap3A_108] {strides = array<i32>} : memref<128xf32, #tpu.memory_space<vmem>>, vector<16xf32>,
      %swap3A_110 = vector.shape_cast %swap3A_109 : vector<16xf32> to vector<16xf32>
      %swap3A_111 = vector.shape_cast %sub3A_107 : vector<16xf32> to vector<16xf32>
      tpu.vector_store %arg9[%swap3A_108], %swap3A_111 {strides = array<i32>} : memref<128xf32, #tpu.memory_space<vmem>>, vector<16xf32>,
      %get3A_112 = arith.constant 9 : i32
      %get3A_113 = arith.index_cast %get3A_112 : i32 to index
      %get3A_114 = arith.constant 0 : index
      %get3A_115 = tpu.vector_load %arg7[%get3A_113, %get3A_114] {strides = array<i32>} : memref<32x128xf32, #tpu.memory_space<vmem>>, vector<1x16xf32>,
      %get3A_116 = vector.shape_cast %get3A_115 : vector<1x16xf32> to vector<16xf32>
      %sub3A_117 = arith.subf %get3A_116, %get3A_23 : vector<16xf32>
      %swap3A_118 = arith.constant 27 : index
      %swap3A_119 = tpu.vector_load %arg9[%swap3A_118] {strides = array<i32>} : memref<128xf32, #tpu.memory_space<vmem>>, vector<16xf32>,
      %swap3A_120 = vector.shape_cast %swap3A_119 : vector<16xf32> to vector<16xf32>
      %swap3A_121 = vector.shape_cast %sub3A_117 : vector<16xf32> to vector<16xf32>
      tpu.vector_store %arg9[%swap3A_118], %swap3A_121 {strides = array<i32>} : memref<128xf32, #tpu.memory_space<vmem>>, vector<16xf32>,
      %get3A_122 = arith.constant 10 : i32
      %get3A_123 = arith.index_cast %get3A_122 : i32 to index
      %get3A_124 = arith.constant 0 : index
      %get3A_125 = tpu.vector_load %arg7[%get3A_123, %get3A_124] {strides = array<i32>} : memref<32x128xf32, #tpu.memory_space<vmem>>, vector<1x16xf32>,
      %get3A_126 = vector.shape_cast %get3A_125 : vector<1x16xf32> to vector<16xf32>
      %sub3A_127 = arith.subf %get3A_126, %get3A_23 : vector<16xf32>
      %swap3A_128 = arith.constant 30 : index
      %swap3A_129 = tpu.vector_load %arg9[%swap3A_128] {strides = array<i32>} : memref<128xf32, #tpu.memory_space<vmem>>, vector<16xf32>,
      %swap3A_130 = vector.shape_cast %swap3A_129 : vector<16xf32> to vector<16xf32>
      %swap3A_131 = vector.shape_cast %sub3A_127 : vector<16xf32> to vector<16xf32>
      tpu.vector_store %arg9[%swap3A_128], %swap3A_131 {strides = array<i32>} : memref<128xf32, #tpu.memory_space<vmem>>, vector<16xf32>,
      %get3A_132 = arith.constant 11 : i32
      %get3A_133 = arith.index_cast %get3A_132 : i32 to index
      %get3A_134 = arith.constant 0 : index
      %get3A_135 = tpu.vector_load %arg7[%get3A_133, %get3A_134] {strides = array<i32>} : memref<32x128xf32, #tpu.memory_space<vmem>>, vector<1x16xf32>,
      %get3A_136 = vector.shape_cast %get3A_135 : vector<1x16xf32> to vector<16xf32>
      %sub3A_137 = arith.subf %get3A_136, %get3A_23 : vector<16xf32>
      %swap3A_138 = arith.constant 33 : index
      %swap3A_139 = tpu.vector_load %arg9[%swap3A_138] {strides = array<i32>} : memref<128xf32, #tpu.memory_space<vmem>>, vector<16xf32>,
      %swap3A_140 = vector.shape_cast %swap3A_139 : vector<16xf32> to vector<16xf32>
      %swap3A_141 = vector.shape_cast %sub3A_137 : vector<16xf32> to vector<16xf32>
      tpu.vector_store %arg9[%swap3A_138], %swap3A_141 {strides = array<i32>} : memref<128xf32, #tpu.memory_space<vmem>>, vector<16xf32>,
      %get3A_142 = arith.constant 12 : i32
      %get3A_143 = arith.index_cast %get3A_142 : i32 to index
      %get3A_144 = arith.constant 0 : index
      %get3A_145 = tpu.vector_load %arg7[%get3A_143, %get3A_144] {strides = array<i32>} : memref<32x128xf32, #tpu.memory_space<vmem>>, vector<1x16xf32>,
      %get3A_146 = vector.shape_cast %get3A_145 : vector<1x16xf32> to vector<16xf32>
      %sub3A_147 = arith.subf %get3A_146, %get3A_23 : vector<16xf32>
      %swap3A_148 = arith.constant 36 : index
      %swap3A_149 = tpu.vector_load %arg9[%swap3A_148] {strides = array<i32>} : memref<128xf32, #tpu.memory_space<vmem>>, vector<16xf32>,
      %swap3A_150 = vector.shape_cast %swap3A_149 : vector<16xf32> to vector<16xf32>
      %swap3A_151 = vector.shape_cast %sub3A_147 : vector<16xf32> to vector<16xf32>
      tpu.vector_store %arg9[%swap3A_148], %swap3A_151 {strides = array<i32>} : memref<128xf32, #tpu.memory_space<vmem>>, vector<16xf32>,
      %get3A_152 = arith.constant 13 : i32
      %get3A_153 = arith.index_cast %get3A_152 : i32 to index
      %get3A_154 = arith.constant 0 : index
      %get3A_155 = tpu.vector_load %arg7[%get3A_153, %get3A_154] {strides = array<i32>} : memref<32x128xf32, #tpu.memory_space<vmem>>, vector<1x16xf32>,
      %get3A_156 = vector.shape_cast %get3A_155 : vector<1x16xf32> to vector<16xf32>
      %sub3A_157 = arith.subf %get3A_156, %get3A_23 : vector<16xf32>
      %swap3A_158 = arith.constant 39 : index
      %swap3A_159 = tpu.vector_load %arg9[%swap3A_158] {strides = array<i32>} : memref<128xf32, #tpu.memory_space<vmem>>, vector<16xf32>,
      %swap3A_160 = vector.shape_cast %swap3A_159 : vector<16xf32> to vector<16xf32>
      %swap3A_161 = vector.shape_cast %sub3A_157 : vector<16xf32> to vector<16xf32>
      tpu.vector_store %arg9[%swap3A_158], %swap3A_161 {strides = array<i32>} : memref<128xf32, #tpu.memory_space<vmem>>, vector<16xf32>,
      %get3A_162 = arith.constant 14 : i32
      %get3A_163 = arith.index_cast %get3A_162 : i32 to index
      %get3A_164 = arith.constant 0 : index
      %get3A_165 = tpu.vector_load %arg7[%get3A_163, %get3A_164] {strides = array<i32>} : memref<32x128xf32, #tpu.memory_space<vmem>>, vector<1x16xf32>,
      %get3A_166 = vector.shape_cast %get3A_165 : vector<1x16xf32> to vector<16xf32>
      %sub3A_167 = arith.subf %get3A_166, %get3A_23 : vector<16xf32>
      %swap3A_168 = arith.constant 42 : index
      %swap3A_169 = tpu.vector_load %arg9[%swap3A_168] {strides = array<i32>} : memref<128xf32, #tpu.memory_space<vmem>>, vector<16xf32>,
      %swap3A_170 = vector.shape_cast %swap3A_169 : vector<16xf32> to vector<16xf32>
      %swap3A_171 = vector.shape_cast %sub3A_167 : vector<16xf32> to vector<16xf32>
      tpu.vector_store %arg9[%swap3A_168], %swap3A_171 {strides = array<i32>} : memref<128xf32, #tpu.memory_space<vmem>>, vector<16xf32>,
      %get3A_172 = arith.constant 15 : i32
      %get3A_173 = arith.index_cast %get3A_172 : i32 to index
      %get3A_174 = arith.constant 0 : index
      %get3A_175 = tpu.vector_load %arg7[%get3A_173, %get3A_174] {strides = array<i32>} : memref<32x128xf32, #tpu.memory_space<vmem>>, vector<1x16xf32>,
      %get3A_176 = vector.shape_cast %get3A_175 : vector<1x16xf32> to vector<16xf32>
      %sub3A_177 = arith.subf %get3A_176, %get3A_23 : vector<16xf32>
      %swap3A_178 = arith.constant 45 : index
      %swap3A_179 = tpu.vector_load %arg9[%swap3A_178] {strides = array<i32>} : memref<128xf32, #tpu.memory_space<vmem>>, vector<16xf32>,
      %swap3A_180 = vector.shape_cast %swap3A_179 : vector<16xf32> to vector<16xf32>
      %swap3A_181 = vector.shape_cast %sub3A_177 : vector<16xf32> to vector<16xf32>
      tpu.vector_store %arg9[%swap3A_178], %swap3A_181 {strides = array<i32>} : memref<128xf32, #tpu.memory_space<vmem>>, vector<16xf32>,
      %get3A_182 = arith.constant 16 : i32
      %get3A_183 = arith.index_cast %get3A_182 : i32 to index
      %get3A_184 = arith.constant 0 : index
      %get3A_185 = tpu.vector_load %arg7[%get3A_183, %get3A_184] {strides = array<i32>} : memref<32x128xf32, #tpu.memory_space<vmem>>, vector<1x16xf32>,
      %get3A_186 = vector.shape_cast %get3A_185 : vector<1x16xf32> to vector<16xf32>
      %sub3A_187 = arith.subf %get3A_186, %get3A_23 : vector<16xf32>
      %swap3A_188 = arith.constant 48 : index
      %swap3A_189 = tpu.vector_load %arg9[%swap3A_188] {strides = array<i32>} : memref<128xf32, #tpu.memory_space<vmem>>, vector<16xf32>,
      %swap3A_190 = vector.shape_cast %swap3A_189 : vector<16xf32> to vector<16xf32>
      %swap3A_191 = vector.shape_cast %sub3A_187 : vector<16xf32> to vector<16xf32>
      tpu.vector_store %arg9[%swap3A_188], %swap3A_191 {strides = array<i32>} : memref<128xf32, #tpu.memory_space<vmem>>, vector<16xf32>,
      %get3A_192 = arith.constant 17 : i32
      %get3A_193 = arith.index_cast %get3A_192 : i32 to index
      %get3A_194 = arith.constant 0 : index
      %get3A_195 = tpu.vector_load %arg7[%get3A_193, %get3A_194] {strides = array<i32>} : memref<32x128xf32, #tpu.memory_space<vmem>>, vector<1x16xf32>,
      %get3A_196 = vector.shape_cast %get3A_195 : vector<1x16xf32> to vector<16xf32>
      %sub3A_197 = arith.subf %get3A_196, %get3A_23 : vector<16xf32>
      %swap3A_198 = arith.constant 51 : index
      %swap3A_199 = tpu.vector_load %arg9[%swap3A_198] {strides = array<i32>} : memref<128xf32, #tpu.memory_space<vmem>>, vector<16xf32>,
      %swap3A_200 = vector.shape_cast %swap3A_199 : vector<16xf32> to vector<16xf32>
      %swap3A_201 = vector.shape_cast %sub3A_197 : vector<16xf32> to vector<16xf32>
      tpu.vector_store %arg9[%swap3A_198], %swap3A_201 {strides = array<i32>} : memref<128xf32, #tpu.memory_space<vmem>>, vector<16xf32>,
      %get3A_202 = arith.constant 18 : i32
      %get3A_203 = arith.index_cast %get3A_202 : i32 to index
      %get3A_204 = arith.constant 0 : index
      %get3A_205 = tpu.vector_load %arg7[%get3A_203, %get3A_204] {strides = array<i32>} : memref<32x128xf32, #tpu.memory_space<vmem>>, vector<1x16xf32>,
      %get3A_206 = vector.shape_cast %get3A_205 : vector<1x16xf32> to vector<16xf32>
      %sub3A_207 = arith.subf %get3A_206, %get3A_23 : vector<16xf32>
      %swap3A_208 = arith.constant 54 : index
      %swap3A_209 = tpu.vector_load %arg9[%swap3A_208] {strides = array<i32>} : memref<128xf32, #tpu.memory_space<vmem>>, vector<16xf32>,
      %swap3A_210 = vector.shape_cast %swap3A_209 : vector<16xf32> to vector<16xf32>
      %swap3A_211 = vector.shape_cast %sub3A_207 : vector<16xf32> to vector<16xf32>
      tpu.vector_store %arg9[%swap3A_208], %swap3A_211 {strides = array<i32>} : memref<128xf32, #tpu.memory_space<vmem>>, vector<16xf32>,
      %get3A_212 = arith.constant 19 : i32
      %get3A_213 = arith.index_cast %get3A_212 : i32 to index
      %get3A_214 = arith.constant 0 : index
      %get3A_215 = tpu.vector_load %arg7[%get3A_213, %get3A_214] {strides = array<i32>} : memref<32x128xf32, #tpu.memory_space<vmem>>, vector<1x16xf32>,
      %get3A_216 = vector.shape_cast %get3A_215 : vector<1x16xf32> to vector<16xf32>
      %sub3A_217 = arith.subf %get3A_216, %get3A_23 : vector<16xf32>
      %swap3A_218 = arith.constant 57 : index
      %swap3A_219 = tpu.vector_load %arg9[%swap3A_218] {strides = array<i32>} : memref<128xf32, #tpu.memory_space<vmem>>, vector<16xf32>,
      %swap3A_220 = vector.shape_cast %swap3A_219 : vector<16xf32> to vector<16xf32>
      %swap3A_221 = vector.shape_cast %sub3A_217 : vector<16xf32> to vector<16xf32>
      tpu.vector_store %arg9[%swap3A_218], %swap3A_221 {strides = array<i32>} : memref<128xf32, #tpu.memory_space<vmem>>, vector<16xf32>,
      %get3A_222 = arith.constant 20 : i32
      %get3A_223 = arith.index_cast %get3A_222 : i32 to index
      %get3A_224 = arith.constant 0 : index
      %get3A_225 = tpu.vector_load %arg7[%get3A_223, %get3A_224] {strides = array<i32>} : memref<32x128xf32, #tpu.memory_space<vmem>>, vector<1x16xf32>,
      %get3A_226 = vector.shape_cast %get3A_225 : vector<1x16xf32> to vector<16xf32>
      %sub3A_227 = arith.subf %get3A_226, %get3A_23 : vector<16xf32>
      %swap3A_228 = arith.constant 60 : index
      %swap3A_229 = tpu.vector_load %arg9[%swap3A_228] {strides = array<i32>} : memref<128xf32, #tpu.memory_space<vmem>>, vector<16xf32>,
      %swap3A_230 = vector.shape_cast %swap3A_229 : vector<16xf32> to vector<16xf32>
      %swap3A_231 = vector.shape_cast %sub3A_227 : vector<16xf32> to vector<16xf32>
      tpu.vector_store %arg9[%swap3A_228], %swap3A_231 {strides = array<i32>} : memref<128xf32, #tpu.memory_space<vmem>>, vector<16xf32>,
      %get3A_232 = arith.constant 21 : i32
      %get3A_233 = arith.index_cast %get3A_232 : i32 to index
      %get3A_234 = arith.constant 0 : index
      %get3A_235 = tpu.vector_load %arg7[%get3A_233, %get3A_234] {strides = array<i32>} : memref<32x128xf32, #tpu.memory_space<vmem>>, vector<1x16xf32>,
      %get3A_236 = vector.shape_cast %get3A_235 : vector<1x16xf32> to vector<16xf32>
      %sub3A_237 = arith.subf %get3A_236, %get3A_23 : vector<16xf32>
      %swap3A_238 = arith.constant 63 : index
      %swap3A_239 = tpu.vector_load %arg9[%swap3A_238] {strides = array<i32>} : memref<128xf32, #tpu.memory_space<vmem>>, vector<16xf32>,
      %swap3A_240 = vector.shape_cast %swap3A_239 : vector<16xf32> to vector<16xf32>
      %swap3A_241 = vector.shape_cast %sub3A_237 : vector<16xf32> to vector<16xf32>
      tpu.vector_store %arg9[%swap3A_238], %swap3A_241 {strides = array<i32>} : memref<128xf32, #tpu.memory_space<vmem>>, vector<16xf32>,
      %get3A_242 = arith.constant 22 : i32
      %get3A_243 = arith.index_cast %get3A_242 : i32 to index
      %get3A_244 = arith.constant 0 : index
      %get3A_245 = tpu.vector_load %arg7[%get3A_243, %get3A_244] {strides = array<i32>} : memref<32x128xf32, #tpu.memory_space<vmem>>, vector<1x16xf32>,
      %get3A_246 = vector.shape_cast %get3A_245 : vector<1x16xf32> to vector<16xf32>
      %sub3A_247 = arith.subf %get3A_246, %get3A_23 : vector<16xf32>
      %swap3A_248 = arith.constant 66 : index
      %swap3A_249 = tpu.vector_load %arg9[%swap3A_248] {strides = array<i32>} : memref<128xf32, #tpu.memory_space<vmem>>, vector<16xf32>,
      %swap3A_250 = vector.shape_cast %swap3A_249 : vector<16xf32> to vector<16xf32>
      %swap3A_251 = vector.shape_cast %sub3A_247 : vector<16xf32> to vector<16xf32>
      tpu.vector_store %arg9[%swap3A_248], %swap3A_251 {strides = array<i32>} : memref<128xf32, #tpu.memory_space<vmem>>, vector<16xf32>,
      %get3A_252 = arith.constant 23 : i32
      %get3A_253 = arith.index_cast %get3A_252 : i32 to index
      %get3A_254 = arith.constant 0 : index
      %get3A_255 = tpu.vector_load %arg7[%get3A_253, %get3A_254] {strides = array<i32>} : memref<32x128xf32, #tpu.memory_space<vmem>>, vector<1x16xf32>,
      %get3A_256 = vector.shape_cast %get3A_255 : vector<1x16xf32> to vector<16xf32>
      %sub3A_257 = arith.subf %get3A_256, %get3A_23 : vector<16xf32>
      %swap3A_258 = arith.constant 69 : index
      %swap3A_259 = tpu.vector_load %arg9[%swap3A_258] {strides = array<i32>} : memref<128xf32, #tpu.memory_space<vmem>>, vector<16xf32>,
      %swap3A_260 = vector.shape_cast %swap3A_259 : vector<16xf32> to vector<16xf32>
      %swap3A_261 = vector.shape_cast %sub3A_257 : vector<16xf32> to vector<16xf32>
      tpu.vector_store %arg9[%swap3A_258], %swap3A_261 {strides = array<i32>} : memref<128xf32, #tpu.memory_space<vmem>>, vector<16xf32>,
      %get3A_262 = arith.constant 24 : i32
      %get3A_263 = arith.index_cast %get3A_262 : i32 to index
      %get3A_264 = arith.constant 0 : index
      %get3A_265 = tpu.vector_load %arg7[%get3A_263, %get3A_264] {strides = array<i32>} : memref<32x128xf32, #tpu.memory_space<vmem>>, vector<1x16xf32>,
      %get3A_266 = vector.shape_cast %get3A_265 : vector<1x16xf32> to vector<16xf32>
      %sub3A_267 = arith.subf %get3A_266, %get3A_23 : vector<16xf32>
      %swap3A_268 = arith.constant 72 : index
      %swap3A_269 = tpu.vector_load %arg9[%swap3A_268] {strides = array<i32>} : memref<128xf32, #tpu.memory_space<vmem>>, vector<16xf32>,
      %swap3A_270 = vector.shape_cast %swap3A_269 : vector<16xf32> to vector<16xf32>
      %swap3A_271 = vector.shape_cast %sub3A_267 : vector<16xf32> to vector<16xf32>
      tpu.vector_store %arg9[%swap3A_268], %swap3A_271 {strides = array<i32>} : memref<128xf32, #tpu.memory_space<vmem>>, vector<16xf32>,
      %get3A_272 = arith.constant 25 : i32
      %get3A_273 = arith.index_cast %get3A_272 : i32 to index
      %get3A_274 = arith.constant 0 : index
      %get3A_275 = tpu.vector_load %arg7[%get3A_273, %get3A_274] {strides = array<i32>} : memref<32x128xf32, #tpu.memory_space<vmem>>, vector<1x16xf32>,
      %get3A_276 = vector.shape_cast %get3A_275 : vector<1x16xf32> to vector<16xf32>
      %sub3A_277 = arith.subf %get3A_276, %get3A_23 : vector<16xf32>
      %swap3A_278 = arith.constant 75 : index
      %swap3A_279 = tpu.vector_load %arg9[%swap3A_278] {strides = array<i32>} : memref<128xf32, #tpu.memory_space<vmem>>, vector<16xf32>,
      %swap3A_280 = vector.shape_cast %swap3A_279 : vector<16xf32> to vector<16xf32>
      %swap3A_281 = vector.shape_cast %sub3A_277 : vector<16xf32> to vector<16xf32>
      tpu.vector_store %arg9[%swap3A_278], %swap3A_281 {strides = array<i32>} : memref<128xf32, #tpu.memory_space<vmem>>, vector<16xf32>,
      %get3A_282 = arith.constant 26 : i32
      %get3A_283 = arith.index_cast %get3A_282 : i32 to index
      %get3A_284 = arith.constant 0 : index
      %get3A_285 = tpu.vector_load %arg7[%get3A_283, %get3A_284] {strides = array<i32>} : memref<32x128xf32, #tpu.memory_space<vmem>>, vector<1x16xf32>,
      %get3A_286 = vector.shape_cast %get3A_285 : vector<1x16xf32> to vector<16xf32>
      %sub3A_287 = arith.subf %get3A_286, %get3A_23 : vector<16xf32>
      %swap3A_288 = arith.constant 78 : index
      %swap3A_289 = tpu.vector_load %arg9[%swap3A_288] {strides = array<i32>} : memref<128xf32, #tpu.memory_space<vmem>>, vector<16xf32>,
      %swap3A_290 = vector.shape_cast %swap3A_289 : vector<16xf32> to vector<16xf32>
      %swap3A_291 = vector.shape_cast %sub3A_287 : vector<16xf32> to vector<16xf32>
      tpu.vector_store %arg9[%swap3A_288], %swap3A_291 {strides = array<i32>} : memref<128xf32, #tpu.memory_space<vmem>>, vector<16xf32>,
      %get3A_292 = arith.constant 27 : i32
      %get3A_293 = arith.index_cast %get3A_292 : i32 to index
      %get3A_294 = arith.constant 0 : index
      %get3A_295 = tpu.vector_load %arg7[%get3A_293, %get3A_294] {strides = array<i32>} : memref<32x128xf32, #tpu.memory_space<vmem>>, vector<1x16xf32>,
      %get3A_296 = vector.shape_cast %get3A_295 : vector<1x16xf32> to vector<16xf32>
      %sub3A_297 = arith.subf %get3A_296, %get3A_23 : vector<16xf32>
      %swap3A_298 = arith.constant 81 : index
      %swap3A_299 = tpu.vector_load %arg9[%swap3A_298] {strides = array<i32>} : memref<128xf32, #tpu.memory_space<vmem>>, vector<16xf32>,
      %swap3A_300 = vector.shape_cast %swap3A_299 : vector<16xf32> to vector<16xf32>
      %swap3A_301 = vector.shape_cast %sub3A_297 : vector<16xf32> to vector<16xf32>
      tpu.vector_store %arg9[%swap3A_298], %swap3A_301 {strides = array<i32>} : memref<128xf32, #tpu.memory_space<vmem>>, vector<16xf32>,
      %get3A_302 = arith.constant 28 : i32
      %get3A_303 = arith.index_cast %get3A_302 : i32 to index
      %get3A_304 = arith.constant 0 : index
      %get3A_305 = tpu.vector_load %arg7[%get3A_303, %get3A_304] {strides = array<i32>} : memref<32x128xf32, #tpu.memory_space<vmem>>, vector<1x16xf32>,
      %get3A_306 = vector.shape_cast %get3A_305 : vector<1x16xf32> to vector<16xf32>
      %sub3A_307 = arith.subf %get3A_306, %get3A_23 : vector<16xf32>
      %swap3A_308 = arith.constant 84 : index
      %swap3A_309 = tpu.vector_load %arg9[%swap3A_308] {strides = array<i32>} : memref<128xf32, #tpu.memory_space<vmem>>, vector<16xf32>,
      %swap3A_310 = vector.shape_cast %swap3A_309 : vector<16xf32> to vector<16xf32>
      %swap3A_311 = vector.shape_cast %sub3A_307 : vector<16xf32> to vector<16xf32>
      tpu.vector_store %arg9[%swap3A_308], %swap3A_311 {strides = array<i32>} : memref<128xf32, #tpu.memory_space<vmem>>, vector<16xf32>,
      %get3A_312 = arith.constant 29 : i32
      %get3A_313 = arith.index_cast %get3A_312 : i32 to index
      %get3A_314 = arith.constant 0 : index
      %get3A_315 = tpu.vector_load %arg7[%get3A_313, %get3A_314] {strides = array<i32>} : memref<32x128xf32, #tpu.memory_space<vmem>>, vector<1x16xf32>,
      %get3A_316 = vector.shape_cast %get3A_315 : vector<1x16xf32> to vector<16xf32>
      %sub3A_317 = arith.subf %get3A_316, %get3A_23 : vector<16xf32>
      %swap3A_318 = arith.constant 87 : index
      %swap3A_319 = tpu.vector_load %arg9[%swap3A_318] {strides = array<i32>} : memref<128xf32, #tpu.memory_space<vmem>>, vector<16xf32>,
      %swap3A_320 = vector.shape_cast %swap3A_319 : vector<16xf32> to vector<16xf32>
      %swap3A_321 = vector.shape_cast %sub3A_317 : vector<16xf32> to vector<16xf32>
      tpu.vector_store %arg9[%swap3A_318], %swap3A_321 {strides = array<i32>} : memref<128xf32, #tpu.memory_space<vmem>>, vector<16xf32>,
      %get3A_322 = arith.constant 30 : i32
      %get3A_323 = arith.index_cast %get3A_322 : i32 to index
      %get3A_324 = arith.constant 0 : index
      %get3A_325 = tpu.vector_load %arg7[%get3A_323, %get3A_324] {strides = array<i32>} : memref<32x128xf32, #tpu.memory_space<vmem>>, vector<1x16xf32>,
      %get3A_326 = vector.shape_cast %get3A_325 : vector<1x16xf32> to vector<16xf32>
      %sub3A_327 = arith.subf %get3A_326, %get3A_23 : vector<16xf32>
      %swap3A_328 = arith.constant 90 : index
      %swap3A_329 = tpu.vector_load %arg9[%swap3A_328] {strides = array<i32>} : memref<128xf32, #tpu.memory_space<vmem>>, vector<16xf32>,
      %swap3A_330 = vector.shape_cast %swap3A_329 : vector<16xf32> to vector<16xf32>
      %swap3A_331 = vector.shape_cast %sub3A_327 : vector<16xf32> to vector<16xf32>
      tpu.vector_store %arg9[%swap3A_328], %swap3A_331 {strides = array<i32>} : memref<128xf32, #tpu.memory_space<vmem>>, vector<16xf32>,
      %get3A_332 = arith.constant 31 : i32
      %get3A_333 = arith.index_cast %get3A_332 : i32 to index
      %get3A_334 = arith.constant 0 : index
      %get3A_335 = tpu.vector_load %arg7[%get3A_333, %get3A_334] {strides = array<i32>} : memref<32x128xf32, #tpu.memory_space<vmem>>, vector<1x16xf32>,
      %get3A_336 = vector.shape_cast %get3A_335 : vector<1x16xf32> to vector<16xf32>
      %sub3A_337 = arith.subf %get3A_336, %get3A_23 : vector<16xf32>
      %swap3A_338 = arith.constant 93 : index
      %swap3A_339 = tpu.vector_load %arg9[%swap3A_338] {strides = array<i32>} : memref<128xf32, #tpu.memory_space<vmem>>, vector<16xf32>,
      %swap3A_340 = vector.shape_cast %swap3A_339 : vector<16xf32> to vector<16xf32>
      %swap3A_341 = vector.shape_cast %sub3A_337 : vector<16xf32> to vector<16xf32>
      tpu.vector_store %arg9[%swap3A_338], %swap3A_341 {strides = array<i32>} : memref<128xf32, #tpu.memory_space<vmem>>, vector<16xf32>,
      %mul3A_342 = arith.constant 32 : i32
      %mul3A_343 = arith.muli %add3A_13, %mul3A_342 : i32
      %mul3A_344 = arith.constant 3 : i32
      %mul3A_345 = arith.muli %mul3A_343, %mul3A_344 : i32
      "tpu.region"() ({
        %run_scoped3A = tpu.sem_alloc : memref<!tpu.dma_semaphore, #tpu.memory_space<semaphore_mem>>
        %dma_start3A_347 = arith.constant 0 : i32
        %dma_start3A_348 = tpu.memref_slice %arg9[%dma_start3A_347] : memref<128xf32, #tpu.memory_space<vmem>> -> memref<96xf32, #tpu.memory_space<vmem>>
        %dma_start3A_349 = tpu.memref_slice %arg5[%mul3A_345] : memref<393216xf32, #tpu.memory_space<hbm>> -> memref<96xf32, #tpu.memory_space<hbm>>
        %dma_start3A_350 = tpu.memref_slice %arg5[%mul3A_345] : memref<393216xf32, #tpu.memory_space<hbm>> -> memref<96xf32, #tpu.memory_space<hbm>>
        %dma_start3A_351 = arith.constant 0 : i32
        %dma_start3A_352 = tpu.memref_slice %arg9[%dma_start3A_351] : memref<128xf32, #tpu.memory_space<vmem>> -> memref<96xf32, #tpu.memory_space<vmem>>
        tpu.enqueue_dma source(%dma_start3A_352 : memref<96xf32, #tpu.memory_space<vmem>>) target(%dma_start3A_350 : memref<96xf32, #tpu.memory_space<hbm>>) target_semaphore(%run_scoped3A : memref<!tpu.dma_semaphore, #tpu.memory_space<semaphore_mem>>)
        %dma_wait3A_353 = arith.constant 0 : i32
        %dma_wait3A_354 = tpu.memref_slice %arg9[%dma_wait3A_353] : memref<128xf32, #tpu.memory_space<vmem>> -> memref<96xf32, #tpu.memory_space<vmem>>
        %dma_wait3A_355 = tpu.memref_slice %arg5[%mul3A_345] : memref<393216xf32, #tpu.memory_space<hbm>> -> memref<96xf32, #tpu.memory_space<hbm>>
        %dma_wait3A_356 = tpu.memref_slice %arg5[%mul3A_345] : memref<393216xf32, #tpu.memory_space<hbm>> -> memref<96xf32, #tpu.memory_space<hbm>>
        %dma_wait3A_357 = arith.constant 0 : i32
        %dma_wait3A_358 = tpu.memref_slice %arg9[%dma_wait3A_357] : memref<128xf32, #tpu.memory_space<vmem>> -> memref<96xf32, #tpu.memory_space<vmem>>
        tpu.wait_dma2 semaphore(%run_scoped3A : memref<!tpu.dma_semaphore, #tpu.memory_space<semaphore_mem>>) src(%dma_wait3A_358 : memref<96xf32, #tpu.memory_space<vmem>>) dst(%dma_wait3A_356 : memref<96xf32, #tpu.memory_space<hbm>>)
        tpu.yield
      }) : () -> ()
      %scan3A_346 = arith.constant 0 : i32
      scf.yield %scan3A_346 : i32
    }
    %scan3A_8 = arith.constant 128 : i32
    return
  }
}

module attributes {stable_mosaic.version = 14 : i64} {
  func.func @_fps_body(%arg0: memref<3x8x8192xf32, #tpu.memory_space<vmem>>, %arg1: memref<8x512xf32, #tpu.memory_space<vmem>>, %arg2: memref<8x512xf32, #tpu.memory_space<vmem>>, %arg3: memref<8x512xf32, #tpu.memory_space<vmem>>, %arg4: memref<8x8192xf32, #tpu.memory_space<vmem>>) attributes {dimension_semantics = [], scalar_prefetch = 0 : i64, scratch_operands = 1 : i64, tpu.core_type = #tpu.core_type<tc>} {
    %get3A = arith.constant 0 : index
    %get3A_0 = arith.constant 0 : index
    %get3A_1 = arith.constant 0 : index
    %get3A_2 = vector.load %arg0[%get3A, %get3A_0, %get3A_1] : memref<3x8x8192xf32, #tpu.memory_space<vmem>>, vector<1x8x8192xf32>
    %get3A_3 = vector.shape_cast %get3A_2 : vector<1x8x8192xf32> to vector<8x8192xf32>
    %get3A_4 = arith.constant 1 : index
    %get3A_5 = arith.constant 0 : index
    %get3A_6 = arith.constant 0 : index
    %get3A_7 = vector.load %arg0[%get3A_4, %get3A_5, %get3A_6] : memref<3x8x8192xf32, #tpu.memory_space<vmem>>, vector<1x8x8192xf32>
    %get3A_8 = vector.shape_cast %get3A_7 : vector<1x8x8192xf32> to vector<8x8192xf32>
    %get3A_9 = arith.constant 2 : index
    %get3A_10 = arith.constant 0 : index
    %get3A_11 = arith.constant 0 : index
    %get3A_12 = vector.load %arg0[%get3A_9, %get3A_10, %get3A_11] : memref<3x8x8192xf32, #tpu.memory_space<vmem>>, vector<1x8x8192xf32>
    %get3A_13 = vector.shape_cast %get3A_12 : vector<1x8x8192xf32> to vector<8x8192xf32>
    %iota3A = tpu.iota {dimensions = array<i32: 1>} : vector<8x8192xi32>
    %iota3A_14 = tpu.iota {dimensions = array<i32: 1>} : vector<8x512xi32>
    %broadcast_in_dim3A = arith.constant 1.000000e+10 : f32
    %broadcast_in_dim3A_15 = vector.broadcast %broadcast_in_dim3A : f32 to vector<8x8192xf32>
    %swap3A = arith.constant 0 : index
    %swap3A_16 = arith.constant 0 : index
    %swap3A_17 = vector.load %arg4[%swap3A, %swap3A_16] : memref<8x8192xf32, #tpu.memory_space<vmem>>, vector<8x8192xf32>
    tpu.vector_store %arg4[%swap3A, %swap3A_16], %broadcast_in_dim3A_15 {strides = array<i32>} : memref<8x8192xf32, #tpu.memory_space<vmem>>, vector<8x8192xf32>,
    %broadcast_in_dim3A_18 = arith.constant 0 : i32
    %broadcast_in_dim3A_19 = vector.broadcast %broadcast_in_dim3A_18 : i32 to vector<8x1xi32>
    %broadcast_in_dim3A_20 = arith.constant 0.000000e+00 : f32
    %broadcast_in_dim3A_21 = vector.broadcast %broadcast_in_dim3A_20 : f32 to vector<8x512xf32>
    %scan3A = arith.constant 0 : i32
    %scan3A_22 = arith.constant 512 : i32
    %scan3A_23 = arith.addi %scan3A, %scan3A_22 : i32
    %scan3A_24 = arith.constant 1 : i32
    %scan3A_25:4 = scf.for %scan3A_36 = %scan3A to %scan3A_23 step %scan3A_24 iter_args(%scan3A_37 = %broadcast_in_dim3A_19, %scan3A_38 = %broadcast_in_dim3A_21, %scan3A_39 = %broadcast_in_dim3A_21, %scan3A_40 = %broadcast_in_dim3A_21) -> (vector<8x1xi32>, vector<8x512xf32>, vector<8x512xf32>, vector<8x512xf32>)  : i32 {
      %eq3A = vector.broadcast %scan3A_37 : vector<8x1xi32> to vector<8x8192xi32>
      %eq3A_41 = arith.cmpi eq, %iota3A, %eq3A : vector<8x8192xi32>
      %jit3A = arith.constant 0.000000e+00 : f32
      %broadcast_in_dim3A_42 = vector.broadcast %jit3A : f32 to vector<8x8192xf32>
      %select_n3A = arith.select %eq3A_41, %get3A_3, %broadcast_in_dim3A_42 : vector<8x8192xi1>, vector<8x8192xf32>
      %reduce_sum3A = arith.constant dense<0.000000e+00> : vector<8xf32>
      %reduce_sum3A_43 = vector.multi_reduction <add>, %select_n3A, %reduce_sum3A [1] : vector<8x8192xf32> to vector<8xf32>
      %broadcast_in_dim3A_44 = vector.shape_cast %reduce_sum3A_43 : vector<8xf32> to vector<8x1xf32>
      %jit3A_45 = arith.constant 0.000000e+00 : f32
      %broadcast_in_dim3A_46 = vector.broadcast %jit3A_45 : f32 to vector<8x8192xf32>
      %select_n3A_47 = arith.select %eq3A_41, %get3A_8, %broadcast_in_dim3A_46 : vector<8x8192xi1>, vector<8x8192xf32>
      %reduce_sum3A_48 = arith.constant dense<0.000000e+00> : vector<8xf32>
      %reduce_sum3A_49 = vector.multi_reduction <add>, %select_n3A_47, %reduce_sum3A_48 [1] : vector<8x8192xf32> to vector<8xf32>
      %broadcast_in_dim3A_50 = vector.shape_cast %reduce_sum3A_49 : vector<8xf32> to vector<8x1xf32>
      %jit3A_51 = arith.constant 0.000000e+00 : f32
      %broadcast_in_dim3A_52 = vector.broadcast %jit3A_51 : f32 to vector<8x8192xf32>
      %select_n3A_53 = arith.select %eq3A_41, %get3A_13, %broadcast_in_dim3A_52 : vector<8x8192xi1>, vector<8x8192xf32>
      %reduce_sum3A_54 = arith.constant dense<0.000000e+00> : vector<8xf32>
      %reduce_sum3A_55 = vector.multi_reduction <add>, %select_n3A_53, %reduce_sum3A_54 [1] : vector<8x8192xf32> to vector<8xf32>
      %broadcast_in_dim3A_56 = vector.shape_cast %reduce_sum3A_55 : vector<8xf32> to vector<8x1xf32>
      %eq3A_57 = vector.broadcast %scan3A_36 : i32 to vector<8x512xi32>
      %eq3A_58 = arith.cmpi eq, %iota3A_14, %eq3A_57 : vector<8x512xi32>
      %broadcast_in_dim3A_59 = vector.shape_cast %broadcast_in_dim3A_44 : vector<8x1xf32> to vector<8x1xf32>
      %broadcast_in_dim3A_60 = vector.broadcast %broadcast_in_dim3A_59 : vector<8x1xf32> to vector<8x512xf32>
      %select_n3A_61 = arith.select %eq3A_58, %broadcast_in_dim3A_60, %scan3A_38 : vector<8x512xi1>, vector<8x512xf32>
      %broadcast_in_dim3A_62 = vector.shape_cast %broadcast_in_dim3A_50 : vector<8x1xf32> to vector<8x1xf32>
      %broadcast_in_dim3A_63 = vector.broadcast %broadcast_in_dim3A_62 : vector<8x1xf32> to vector<8x512xf32>
      %select_n3A_64 = arith.select %eq3A_58, %broadcast_in_dim3A_63, %scan3A_39 : vector<8x512xi1>, vector<8x512xf32>
      %broadcast_in_dim3A_65 = vector.shape_cast %broadcast_in_dim3A_56 : vector<8x1xf32> to vector<8x1xf32>
      %broadcast_in_dim3A_66 = vector.broadcast %broadcast_in_dim3A_65 : vector<8x1xf32> to vector<8x512xf32>
      %select_n3A_67 = arith.select %eq3A_58, %broadcast_in_dim3A_66, %scan3A_40 : vector<8x512xi1>, vector<8x512xf32>
      %sub3A = vector.broadcast %broadcast_in_dim3A_44 : vector<8x1xf32> to vector<8x8192xf32>
      %sub3A_68 = arith.subf %get3A_3, %sub3A : vector<8x8192xf32>
      %sub3A_69 = vector.broadcast %broadcast_in_dim3A_50 : vector<8x1xf32> to vector<8x8192xf32>
      %sub3A_70 = arith.subf %get3A_8, %sub3A_69 : vector<8x8192xf32>
      %sub3A_71 = vector.broadcast %broadcast_in_dim3A_56 : vector<8x1xf32> to vector<8x8192xf32>
      %sub3A_72 = arith.subf %get3A_13, %sub3A_71 : vector<8x8192xf32>
      %mul3A = arith.mulf %sub3A_68, %sub3A_68 : vector<8x8192xf32>
      %mul3A_73 = arith.mulf %sub3A_70, %sub3A_70 : vector<8x8192xf32>
      %add3A = arith.addf %mul3A, %mul3A_73 : vector<8x8192xf32>
      %mul3A_74 = arith.mulf %sub3A_72, %sub3A_72 : vector<8x8192xf32>
      %add3A_75 = arith.addf %add3A, %mul3A_74 : vector<8x8192xf32>
      %get3A_76 = arith.constant 0 : index
      %get3A_77 = arith.constant 0 : index
      %get3A_78 = vector.load %arg4[%get3A_76, %get3A_77] : memref<8x8192xf32, #tpu.memory_space<vmem>>, vector<8x8192xf32>
      %min3A = arith.minimumf %get3A_78, %add3A_75 : vector<8x8192xf32>
      %swap3A_79 = arith.constant 0 : index
      %swap3A_80 = arith.constant 0 : index
      %swap3A_81 = vector.load %arg4[%swap3A_79, %swap3A_80] : memref<8x8192xf32, #tpu.memory_space<vmem>>, vector<8x8192xf32>
      tpu.vector_store %arg4[%swap3A_79, %swap3A_80], %min3A {strides = array<i32>} : memref<8x8192xf32, #tpu.memory_space<vmem>>, vector<8x8192xf32>,
      %reduce_max3A = arith.constant dense<0xFF800000> : vector<8xf32>
      %reduce_max3A_82 = vector.multi_reduction <maximumf>, %min3A, %reduce_max3A [1] : vector<8x8192xf32> to vector<8xf32>
      %broadcast_in_dim3A_83 = vector.shape_cast %reduce_max3A_82 : vector<8xf32> to vector<8x1xf32>
      %eq3A_84 = vector.broadcast %broadcast_in_dim3A_83 : vector<8x1xf32> to vector<8x8192xf32>
      %eq3A_85 = arith.cmpf oeq, %min3A, %eq3A_84 : vector<8x8192xf32>
      %jit3A_86 = arith.constant 8192 : i32
      %broadcast_in_dim3A_87 = vector.broadcast %jit3A_86 : i32 to vector<8x8192xi32>
      %select_n3A_88 = arith.select %eq3A_85, %iota3A, %broadcast_in_dim3A_87 : vector<8x8192xi1>, vector<8x8192xi32>
      %reduce_min3A = arith.constant dense<2147483647> : vector<8xi32>
      %reduce_min3A_89 = vector.multi_reduction <minsi>, %select_n3A_88, %reduce_min3A [1] : vector<8x8192xi32> to vector<8xi32>
      %broadcast_in_dim3A_90 = vector.shape_cast %reduce_min3A_89 : vector<8xi32> to vector<8x1xi32>
      scf.yield %broadcast_in_dim3A_90, %select_n3A_61, %select_n3A_64, %select_n3A_67 : vector<8x1xi32>, vector<8x512xf32>, vector<8x512xf32>, vector<8x512xf32>
    }
    %scan3A_26 = arith.constant 512 : i32
    %swap3A_27 = arith.constant 0 : index
    %swap3A_28 = arith.constant 0 : index
    %swap3A_29 = vector.load %arg1[%swap3A_27, %swap3A_28] : memref<8x512xf32, #tpu.memory_space<vmem>>, vector<8x512xf32>
    tpu.vector_store %arg1[%swap3A_27, %swap3A_28], %scan3A_25#1 {strides = array<i32>} : memref<8x512xf32, #tpu.memory_space<vmem>>, vector<8x512xf32>,
    %swap3A_30 = arith.constant 0 : index
    %swap3A_31 = arith.constant 0 : index
    %swap3A_32 = vector.load %arg2[%swap3A_30, %swap3A_31] : memref<8x512xf32, #tpu.memory_space<vmem>>, vector<8x512xf32>
    tpu.vector_store %arg2[%swap3A_30, %swap3A_31], %scan3A_25#2 {strides = array<i32>} : memref<8x512xf32, #tpu.memory_space<vmem>>, vector<8x512xf32>,
    %swap3A_33 = arith.constant 0 : index
    %swap3A_34 = arith.constant 0 : index
    %swap3A_35 = vector.load %arg3[%swap3A_33, %swap3A_34] : memref<8x512xf32, #tpu.memory_space<vmem>>, vector<8x512xf32>
    tpu.vector_store %arg3[%swap3A_33, %swap3A_34], %scan3A_25#3 {strides = array<i32>} : memref<8x512xf32, #tpu.memory_space<vmem>>, vector<8x512xf32>,
    return
  }
}

module attributes {stable_mosaic.version = 14 : i64} {
  func.func @_knn_body(%arg0: i32, %arg1: i32, %arg2: memref<1x128x3xf32, #tpu.memory_space<vmem>>, %arg3: memref<1x3x8192xf32, #tpu.memory_space<vmem>>, %arg4: memref<1x128x32xi32, #tpu.memory_space<vmem>>, %arg5: memref<128x8192xf32, #tpu.memory_space<vmem>>) attributes {dimension_semantics = [#tpu.dimension_semantics<arbitrary>, #tpu.dimension_semantics<arbitrary>], iteration_bounds = array<i64: 8, 4>, scalar_prefetch = 0 : i64, scratch_operands = 1 : i64, tpu.core_type = #tpu.core_type<tc>, window_params = [{transform_indices = @transform_0, window_bounds = array<i64: 1, 128, 3>}, {transform_indices = @transform_1, window_bounds = array<i64: 1, 3, 8192>}, {transform_indices = @transform_2, window_bounds = array<i64: 1, 128, 32>}]} {
    %get3A = arith.constant 0 : index
    %get3A_0 = arith.constant 0 : index
    %get3A_1 = arith.constant 0 : index
    %get3A_2 = vector.load %arg2[%get3A, %get3A_0, %get3A_1] : memref<1x128x3xf32, #tpu.memory_space<vmem>>, vector<1x128x3xf32>
    %get3A_3 = vector.shape_cast %get3A_2 : vector<1x128x3xf32> to vector<128x3xf32>
    %get3A_4 = arith.constant 0 : index
    %get3A_5 = arith.constant 0 : index
    %get3A_6 = arith.constant 0 : index
    %get3A_7 = vector.load %arg3[%get3A_4, %get3A_5, %get3A_6] : memref<1x3x8192xf32, #tpu.memory_space<vmem>>, vector<1x3x8192xf32>
    %get3A_8 = vector.shape_cast %get3A_7 : vector<1x3x8192xf32> to vector<3x8192xf32>
    %dot_general3A = arith.constant dense<0.000000e+00> : vector<128x8192xf32>
    %dot_general3A_9 = tpu.matmul %get3A_3, %get3A_8, %dot_general3A {dimension_numbers = #tpu.dot_dimension_numbers<[1], [0], [0], [1], [0, 0, 1, 1], [], []>, transpose_lhs_hint = false} : vector<128x3xf32>, vector<3x8192xf32>, vector<128x8192xf32> -> vector<128x8192xf32>
    %slice3A = vector.extract_strided_slice %get3A_3 {offsets = [0, 0], sizes = [128, 1], strides = [1, 1]} : vector<128x3xf32> to vector<128x1xf32>
    %slice3A_10 = vector.extract_strided_slice %get3A_3 {offsets = [0, 1], sizes = [128, 1], strides = [1, 1]} : vector<128x3xf32> to vector<128x1xf32>
    %slice3A_11 = vector.extract_strided_slice %get3A_3 {offsets = [0, 2], sizes = [128, 1], strides = [1, 1]} : vector<128x3xf32> to vector<128x1xf32>
    %slice3A_12 = vector.extract_strided_slice %get3A_8 {offsets = [0, 0], sizes = [1, 8192], strides = [1, 1]} : vector<3x8192xf32> to vector<1x8192xf32>
    %slice3A_13 = vector.extract_strided_slice %get3A_8 {offsets = [1, 0], sizes = [1, 8192], strides = [1, 1]} : vector<3x8192xf32> to vector<1x8192xf32>
    %slice3A_14 = vector.extract_strided_slice %get3A_8 {offsets = [2, 0], sizes = [1, 8192], strides = [1, 1]} : vector<3x8192xf32> to vector<1x8192xf32>
    %mul3A = arith.mulf %slice3A, %slice3A : vector<128x1xf32>
    %mul3A_15 = arith.mulf %slice3A_10, %slice3A_10 : vector<128x1xf32>
    %add3A = arith.addf %mul3A, %mul3A_15 : vector<128x1xf32>
    %mul3A_16 = arith.mulf %slice3A_11, %slice3A_11 : vector<128x1xf32>
    %add3A_17 = arith.addf %add3A, %mul3A_16 : vector<128x1xf32>
    %mul3A_18 = arith.mulf %slice3A_12, %slice3A_12 : vector<1x8192xf32>
    %mul3A_19 = arith.mulf %slice3A_13, %slice3A_13 : vector<1x8192xf32>
    %add3A_20 = arith.addf %mul3A_18, %mul3A_19 : vector<1x8192xf32>
    %mul3A_21 = arith.mulf %slice3A_14, %slice3A_14 : vector<1x8192xf32>
    %add3A_22 = arith.addf %add3A_20, %mul3A_21 : vector<1x8192xf32>
    %mul3A_23 = arith.constant -2.000000e+00 : f32
    %mul3A_24 = vector.broadcast %mul3A_23 : f32 to vector<128x8192xf32>
    %mul3A_25 = arith.mulf %mul3A_24, %dot_general3A_9 : vector<128x8192xf32>
    %add3A_26 = vector.broadcast %add3A_17 : vector<128x1xf32> to vector<128x8192xf32>
    %add3A_27 = arith.addf %mul3A_25, %add3A_26 : vector<128x8192xf32>
    %add3A_28 = vector.broadcast %add3A_22 : vector<1x8192xf32> to vector<128x8192xf32>
    %add3A_29 = arith.addf %add3A_27, %add3A_28 : vector<128x8192xf32>
    %swap3A = arith.constant 0 : index
    %swap3A_30 = arith.constant 0 : index
    %swap3A_31 = vector.load %arg5[%swap3A, %swap3A_30] : memref<128x8192xf32, #tpu.memory_space<vmem>>, vector<128x8192xf32>
    tpu.vector_store %arg5[%swap3A, %swap3A_30], %add3A_29 {strides = array<i32>} : memref<128x8192xf32, #tpu.memory_space<vmem>>, vector<128x8192xf32>,
    %iota3A = tpu.iota {dimensions = array<i32: 1>} : vector<128x8192xi32>
    %iota3A_32 = tpu.iota {dimensions = array<i32: 1>} : vector<128x32xi32>
    %broadcast_in_dim3A = arith.constant 0 : i32
    %broadcast_in_dim3A_33 = vector.broadcast %broadcast_in_dim3A : i32 to vector<1x128x32xi32>
    %swap3A_34 = arith.constant 0 : index
    %swap3A_35 = arith.constant 0 : index
    %swap3A_36 = arith.constant 0 : index
    %swap3A_37 = vector.load %arg4[%swap3A_34, %swap3A_35, %swap3A_36] : memref<1x128x32xi32, #tpu.memory_space<vmem>>, vector<1x128x32xi32>
    tpu.vector_store %arg4[%swap3A_34, %swap3A_35, %swap3A_36], %broadcast_in_dim3A_33 {strides = array<i32>} : memref<1x128x32xi32, #tpu.memory_space<vmem>>, vector<1x128x32xi32>,
    %scan3A = arith.constant 0 : i32
    %scan3A_38 = arith.constant 32 : i32
    %scan3A_39 = arith.addi %scan3A, %scan3A_38 : i32
    %scan3A_40 = arith.constant 1 : i32
    scf.for %scan3A_42 = %scan3A to %scan3A_39 step %scan3A_40  : i32 {
      %get3A_43 = arith.constant 0 : index
      %get3A_44 = arith.constant 0 : index
      %get3A_45 = vector.load %arg5[%get3A_43, %get3A_44] : memref<128x8192xf32, #tpu.memory_space<vmem>>, vector<128x8192xf32>
      %reduce_min3A = arith.constant dense<0x7F800000> : vector<128xf32>
      %reduce_min3A_46 = vector.multi_reduction <minimumf>, %get3A_45, %reduce_min3A [1] : vector<128x8192xf32> to vector<128xf32>
      %broadcast_in_dim3A_47 = vector.shape_cast %reduce_min3A_46 : vector<128xf32> to vector<128x1xf32>
      %eq3A = vector.broadcast %broadcast_in_dim3A_47 : vector<128x1xf32> to vector<128x8192xf32>
      %eq3A_48 = arith.cmpf oeq, %get3A_45, %eq3A : vector<128x8192xf32>
      %jit3A = arith.constant 8192 : i32
      %broadcast_in_dim3A_49 = vector.broadcast %jit3A : i32 to vector<128x8192xi32>
      %select_n3A = arith.select %eq3A_48, %iota3A, %broadcast_in_dim3A_49 : vector<128x8192xi1>, vector<128x8192xi32>
      %reduce_min3A_50 = arith.constant dense<2147483647> : vector<128xi32>
      %reduce_min3A_51 = vector.multi_reduction <minsi>, %select_n3A, %reduce_min3A_50 [1] : vector<128x8192xi32> to vector<128xi32>
      %broadcast_in_dim3A_52 = vector.shape_cast %reduce_min3A_51 : vector<128xi32> to vector<128x1xi32>
      %get3A_53 = arith.constant 0 : index
      %get3A_54 = arith.constant 0 : index
      %get3A_55 = arith.constant 0 : index
      %get3A_56 = vector.load %arg4[%get3A_53, %get3A_54, %get3A_55] : memref<1x128x32xi32, #tpu.memory_space<vmem>>, vector<1x128x32xi32>
      %eq3A_57 = vector.broadcast %scan3A_42 : i32 to vector<128x32xi32>
      %eq3A_58 = arith.cmpi eq, %iota3A_32, %eq3A_57 : vector<128x32xi32>
      %convert_element_type3A = arith.extui %eq3A_58 : vector<128x32xi1> to vector<128x32xi32>
      %mul3A_59 = vector.broadcast %broadcast_in_dim3A_52 : vector<128x1xi32> to vector<128x32xi32>
      %mul3A_60 = arith.muli %convert_element_type3A, %mul3A_59 : vector<128x32xi32>
      %broadcast_in_dim3A_61 = vector.shape_cast %mul3A_60 : vector<128x32xi32> to vector<1x128x32xi32>
      %add3A_62 = arith.addi %get3A_56, %broadcast_in_dim3A_61 : vector<1x128x32xi32>
      %swap3A_63 = arith.constant 0 : index
      %swap3A_64 = arith.constant 0 : index
      %swap3A_65 = arith.constant 0 : index
      %swap3A_66 = vector.load %arg4[%swap3A_63, %swap3A_64, %swap3A_65] : memref<1x128x32xi32, #tpu.memory_space<vmem>>, vector<1x128x32xi32>
      tpu.vector_store %arg4[%swap3A_63, %swap3A_64, %swap3A_65], %add3A_62 {strides = array<i32>} : memref<1x128x32xi32, #tpu.memory_space<vmem>>, vector<1x128x32xi32>,
      %eq3A_67 = vector.broadcast %broadcast_in_dim3A_52 : vector<128x1xi32> to vector<128x8192xi32>
      %eq3A_68 = arith.cmpi eq, %iota3A, %eq3A_67 : vector<128x8192xi32>
      %jit3A_69 = arith.constant 0x7F800000 : f32
      %broadcast_in_dim3A_70 = vector.broadcast %jit3A_69 : f32 to vector<128x8192xf32>
      %select_n3A_71 = arith.select %eq3A_68, %broadcast_in_dim3A_70, %get3A_45 : vector<128x8192xi1>, vector<128x8192xf32>
      %swap3A_72 = arith.constant 0 : index
      %swap3A_73 = arith.constant 0 : index
      %swap3A_74 = vector.load %arg5[%swap3A_72, %swap3A_73] : memref<128x8192xf32, #tpu.memory_space<vmem>>, vector<128x8192xf32>
      tpu.vector_store %arg5[%swap3A_72, %swap3A_73], %select_n3A_71 {strides = array<i32>} : memref<128x8192xf32, #tpu.memory_space<vmem>>, vector<128x8192xf32>,
    }
    %scan3A_41 = arith.constant 32 : i32
    return
  }
  func.func @transform_0(%arg0: i32, %arg1: i32) -> (i32, i32, i32) {
    %c0_i32 = arith.constant 0 : i32
    %c0_i32_0 = arith.constant 0 : i32
    return %arg0, %arg1, %c0_i32 : i32, i32, i32
  }
  func.func @transform_1(%arg0: i32, %arg1: i32) -> (i32, i32, i32) {
    %c0_i32 = arith.constant 0 : i32
    %c0_i32_0 = arith.constant 0 : i32
    %c0_i32_1 = arith.constant 0 : i32
    return %arg0, %c0_i32, %c0_i32_0 : i32, i32, i32
  }
  func.func @transform_2(%arg0: i32, %arg1: i32) -> (i32, i32, i32) {
    %c0_i32 = arith.constant 0 : i32
    %c0_i32_0 = arith.constant 0 : i32
    return %arg0, %arg1, %c0_i32 : i32, i32, i32
  }
}

</mosaic_0001>

<sc_bundles>
// kernel: kernel.5.cloned.1.call-start
scs
__scs_entry_jumppad:
0x0: {  	(pc) =	sbr.rel $0x88, $3  }
0x1: {  	(tag) =	ssettag $0x0;
	lr =	simm.s32 $0x1  }
0x2: {  	[smem:$0x3FA0] =	sst lr;
	_ =	strace $0xD0000000  }
0x3: {  	_ = 	snop  }
0x4: {  	_ = 	snop  }
0x5: {  	_ = 	snop  }
0x6: {  	_ = 	snop  }
0x7: {  	_ = 	snop  }
__scs_overlays_trampoline_lowered:
0x8: {  	[smem:$0x3FAF] =	sst s0  }
0x9: {  	[smem:$0x3FB0] =	sst s1  }
0xa: {  	[smem:$0x3FB1] =	sst s2  }
0xb: {  	[smem:$0x3FB2] =	sst s3  }
0xc: {  	[smem:$0x3FB3] =	sst s4  }
0xd: {  	[smem:$0x3FB4] =	sst s5  }
0xe: {  	[smem:$0x3FB5] =	sst s6  }
0xf: {  	[smem:$0x3FB6] =	sst s7  }
0x10: {  	[smem:$0x3FB7] =	sst s8  }
0x11: {  	[smem:$0x3FB8] =	sst s9;
	s0 =	simm.s32 @!p0 $0x0  }
0x12: {  	s1 =	sld [smem:$0x3F9E];
	s0 =	simm.s32 @p0 $0x1  }
0x13: {  	[smem:$0x3FB9] =	sst s0;
	s0 =	simm.s32 @!p1 $0x0  }
0x14: {  	s2 =	sld [smem:$0x3F9D];
	s0 =	simm.s32 @p1 $0x1  }
0x15: {  	[smem:$0x3FBA] =	sst s0;
	s0 =	simm.s32 @!p2 $0x0  }
0x16: {  	s3 =	sld [smem:$0x3FDB];
	s0 =	simm.s32 @p2 $0x1  }
0x17: {  	s4 =	simm.s32 $0x1BF5;
	[smem:$0x3FBC] =	sst s0  }
0x18: {  	s0 =	sld [smem:$0x3F9F];
	_ =	swait.ge [sflag:s4], $0x0  }
0x19: {  	s7 =	sld [smem:$0x3FA0]  }
0x1a: {  	s8 =	sadd.s32 $0xFFFFE003, lr  }
0x1b: {  	s9 =	sadd.s32 $0xFFFFFEF7, lr;
	s5 =	simm.s32 $0xFFFFFFFF;
	p2 =	slt.u32 s8, $0xFFFFF086  }
0x1c: {  	p1 =	slt.u32 s9, $0xF7A;
	s5 =	simm.s32 @!p2 $0x0  }
0x1d: {  	s5 =	simm.s32 @p1 $0x1;
	p0 =	seq.s32 s7, s2  }
0x1e: {  	s7 =	smul.u32 @!p0 $0xF7A, s2;
	p2 =	seq.s32 @!p0 s5, $0x0  }
0x1f: {  	s9 =	smul.u32 $0xF7A, s1;
	s8 =	simm.s32 @!p0 $0x1BF5;
	p2 =	por !p2, p0  }
0x20: {  	[sflag:s8] =	ssyncset.s32 @!p0 $0xFFFFF086;
	s6 =	sadd.s32 @!p0 s3, s7;
	s7 =	simm.s32 @!p0 $0x108  }
0x21: {  	s3 =	sadd.s32 s3, s9;
	s6 =	sadd.s32 @!p0 $0x88, s6;
	s7 =	simm.s32 @p2 $0x1082  }
0x22: {  	[simem:s7], [sflag:s8] =	dma.local @!p0 [hbm:s6], $0xF7A  }
0x23: {  	s9 =	sor.u32 $0xD0000000, s2;
	s6 =	simm.s32 $0x108;
	_ =	swait.ge @!p0 [sflag:s8], $0x0  }
0x24: {  	s3 =	sadd.s32 $0x88, s3;
	s6 =	simm.s32 @!p1 $0x1082;
	[sflag:s4] =	ssyncset.s32 $0xFFFFF086  }
0x25: {  	[simem:s6], [sflag:s4] =	dma.local [hbm:s3], $0xF7A  }
0x26: {  	[smem:$0x3FA0] =	sst s1;
	(tag) =	ssettag s2;
	_ =	strace s9  }
0x27: {  	s1 =	sld [smem:$0x3FB0]  }
0x28: {  	s2 =	sld [smem:$0x3FB1]  }
0x29: {  	s4 =	sld [smem:$0x3FB3]  }
0x2a: {  	p0 =	seq.s32 s5, $0x0;
	s5 =	sld [smem:$0x3FB4]  }
0x2b: {  	s6 =	sld [smem:$0x3FB5]  }
0x2c: {  	s7 =	sld [smem:$0x3FB6]  }
0x2d: {  	s3 =	simm.s32 $0x108;
	s8 =	sld [smem:$0x3FB7]  }
0x2e: {  	s3 =	simm.s32 @!p0 $0x1082;
	s9 =	sld [smem:$0x3FB8]  }
0x2f: {  	lr =	sadd.s32 s0, s3;
	s0 =	sld [smem:$0x3FAF]  }
0x30: {  	s3 =	sld [smem:$0x3FB2]  }
0x31: {  	[smem:$0x3FBB] =	sst s10  }
0x32: {  	s10 =	sld [smem:$0x3FB9];
	_ =	sdelay $0x3  }
0x33: {  	p0 =	seq.s32 s10, $0x1;
	s10 =	sld [smem:$0x3FBB];
	_ =	sdelay $0x3  }
0x34: {  	[smem:$0x3FBB] =	sst s10  }
0x35: {  	s10 =	sld [smem:$0x3FBA];
	_ =	sdelay $0x3  }
0x36: {  	p1 =	seq.s32 s10, $0x1;
	s10 =	sld [smem:$0x3FBB];
	_ =	sdelay $0x3  }
0x37: {  	[smem:$0x3FBB] =	sst s10  }
0x38: {  	s10 =	sld [smem:$0x3FBC]  }
0x39: {  	_ = 	snop;
	(pc) =	sbr.ind lr, $3  }
0x3a: {  	_ = 	snop  }
0x3b: {  	_ = 	snop  }
0x3c: {  	p2 =	seq.s32 s10, $0x1;
	s10 =	sld [smem:$0x3FBB]  }
0x3d: {  	_ =	shalt  }
0x3e: {  	_ =	shalt  }
0x3f: {  	_ =	shalt  }
0x40: {  	_ =	shalt  }
0x41: {  	_ =	shalt  }
0x42: {  	_ =	shalt  }
0x43: {  	_ =	shalt  }
0x44: {  	_ =	shalt  }
0x45: {  	_ =	shalt  }
0x46: {  	_ =	shalt  }
0x47: {  	_ =	shalt  }
0x48: {  	_ =	shalt  }
0x49: {  	_ =	shalt  }
0x4a: {  	_ =	shalt  }
0x4b: {  	_ =	shalt  }
0x4c: {  	_ =	shalt  }
0x4d: {  	_ =	shalt  }
0x4e: {  	_ =	shalt  }
0x4f: {  	_ =	shalt  }
0x50: {  	_ =	shalt  }
0x51: {  	_ =	shalt  }
0x52: {  	_ =	shalt  }
0x53: {  	_ =	shalt  }
0x54: {  	_ =	shalt  }
0x55: {  	_ =	shalt  }
0x56: {  	_ =	shalt  }
0x57: {  	_ =	shalt  }
0x58: {  	_ =	shalt  }
0x59: {  	_ =	shalt  }
0x5a: {  	_ =	shalt  }
0x5b: {  	_ =	shalt  }
0x5c: {  	_ =	shalt  }
0x5d: {  	_ =	shalt  }
0x5e: {  	_ =	shalt  }
0x5f: {  	_ =	shalt  }
0x60: {  	_ =	shalt  }
0x61: {  	_ =	shalt  }
0x62: {  	_ =	shalt  }
0x63: {  	_ =	shalt  }
0x64: {  	_ =	shalt  }
0x65: {  	_ =	shalt  }
0x66: {  	_ =	shalt  }
0x67: {  	_ =	shalt  }
0x68: {  	_ =	shalt  }
0x69: {  	_ =	shalt  }
0x6a: {  	_ =	shalt  }
0x6b: {  	_ =	shalt  }
0x6c: {  	_ =	shalt  }
0x6d: {  	_ =	shalt  }
0x6e: {  	_ =	shalt  }
0x6f: {  	_ =	shalt  }
0x70: {  	_ =	shalt  }
0x71: {  	_ =	shalt  }
0x72: {  	_ =	shalt  }
0x73: {  	_ =	shalt  }
0x74: {  	_ =	shalt  }
0x75: {  	_ =	shalt  }
0x76: {  	_ =	shalt  }
0x77: {  	_ =	shalt  }
0x78: {  	_ =	shalt  }
0x79: {  	_ =	shalt  }
0x7a: {  	_ =	shalt  }
0x7b: {  	_ =	shalt  }
0x7c: {  	_ =	shalt  }
0x7d: {  	_ =	shalt  }
0x7e: {  	_ =	shalt  }
0x7f: {  	_ =	shalt  }
0x80: {  	_ =	shalt  }
0x81: {  	_ =	shalt  }
0x82: {  	_ =	shalt  }
0x83: {  	_ =	shalt  }
0x84: {  	_ =	shalt  }
0x85: {  	_ =	shalt  }
0x86: {  	_ =	shalt  }
0x87: {  	_ =	shalt  }
.Lfunc_end0:
.L_simem_size_0:
called_computation_lowered:
.L_overlay_start_0:
0x88: {  	s2 =	sld [smem:$0x3FD9]  }
0x89: {  	s3 =	sld [smem:$0x3FFE];
	_ =	sdelay $0x1  }
0x8a: {  	s1 =	srdreg.scid  }
0x8b: {  	s0 =	sand.u32 $0x1, s1  }
0x8c: {  	s14 =	sshll.u32 s0, $0xA;
	s2 =	sadd.s32 s3, s2  }
0x8d: {  	s2 =	sadd.s32 s2, s14  }
0x8e: {  	[smem:$0x3FC7] =	sst s2  }
0x8f: {  	_ = 	snop  }
0x90: {  	s2 =	sld [smem:$0x3FD0];
	_ =	sdelay $0x2  }
0x91: {  	s15 =	simm.s32 $0xA;
	s4 =	simm.s32 $0x10  }
0x92: {  	[smem:s4], [sflag:s15] =	dma.local [hbm:s2], $0x1  }
0x93: {  	_ =	swait.eq [sflag:s15], $0x1  }
0x94: {  	[sflag:s15] =	ssyncset.done $0x0  }
0x95: {  	[sflag:s15] =	ssyncadd.s32 $0xFFFFFFFF  }
0x96: {  	s16 =	sld [smem:$0x10];
	(tm) =	ssettm $0x1  }
0x97: {  	s17 =	sld [smem:$0x3FFB];
	_ =	sdelay $0x3  }
0x98: {  	_ =	strace s17  }
0x99: {  	s3 =	sld [smem:$0x3FFC];
	_ =	sdelay $0x3  }
0x9a: {  	_ =	strace s3  }
0x9b: {  	s3 =	sld [smem:$0x3FFD];
	_ =	sdelay $0x3  }
0x9c: {  	_ =	strace s3  }
0x9d: {  	_ =	strace $0x8FFFFFFF  }
0x9e: {  	s18 =	sld [smem:$0x3FDB];
	_ =	sdelay $0x1  }
0x9f: {  	s19 =	simm.s32 $_scs_section_size  }
0xa0: {  	s5 =	simm.s32 $_size__tile_overlayer_lowered;
	s6 =	simm.s32 $_tile_overlayer_lowered  }
0xa1: {  	s22 =	simm.s32 $0x1BFF;
	s21 =	sshll.u32 s6, $0x1;
	s3 =	sadd.s32 s19, s18  }
0xa2: {  	s7 =	simm.s32 $0x0;
	s20 =	sshll.u32 s5, $0x1;
	s5 =	sadd.s32 s21, s3  }
0xa3: {  	[timem:s7], [sflag:s22] =	dma.local [hbm:s5], s20  }
0xa4: {  	_ =	swait.ge [sflag:s22], s20  }
0xa5: {  	s4 =	ssub.s32 $0x0, s20;
	[sflag:s22] =	ssyncset.done $0x0  }
0xa6: {  	[sflag:s22] =	ssyncadd.s32 s4;
	_ =	sdelay $0x1  }
0xa7: {  	s23 =	simm.s32 $0x1B8B  }
0xa8: {  	_ =	swait.ge [sflag:s23], $0x1  }
0xa9: {  	[sflag:s23] =	ssyncset.done $0x0  }
0xaa: {  	s25 =	simm.s32 $0x1B8E;
	s24 =	sld [smem:$0x3FFE];
	[sflag:s23] =	ssyncadd.s32 $0xFFFFFFFF  }
0xab: {  	s26 =	simm.s32 $execute0_lowered;
	[smem:$0x3FD2] =	sst s25  }
0xac: {  	s5 =	sshll.u32 s26, $0x1;
	_ =	strace $0x80000046;
	[dreg:$0x1] =	wrdreg $0xFFFFFFFF  }
0xad: {  	s28 =	simm.s32 $_size_execute0_lowered;
	s3 =	sadd.s32 s3, s5;
	[dreg:$0x0] =	wrdreg $0x0  }
0xae: {  	s5 =	sshll.u32 s28, $0x1;
	[dreg:$0x2] =	wrdreg s3  }
0xaf: {  	[dreg:$0x3] =	wrdreg s5  }
0xb0: {  	[dreg:$0x4] =	wrdreg $0xC0  }
0xb1: {  	_ =	task [dreg:s7], $0x5FFFF  }
0xb2: {  	[dreg:$0x1] =	wrdreg $0xFFFFFFFF  }
0xb3: {  	[dreg:$0x0] =	wrdreg $0x60  }
0xb4: {  	[dreg:$0x2] =	wrdreg s24  }
0xb5: {  	[dreg:$0x3] =	wrdreg s16  }
0xb6: {  	[dreg:$0x4] =	wrdreg $0x9  }
0xb7: {  	_ =	task.clear_ibuf [dreg:s7], $0x5FFFF;
	_ =	strace $0x90000046  }
0xb8: {  	s29 =	simm.s32 $0x9;
	_ =	strace $0x80000048  }
0xb9: {  	_ =	swait.ge [sflag:s29], $0x1  }
0xba: {  	[sflag:s29] =	ssyncadd.s32 $0xFFFFFFFF  }
0xbb: {  	_ =	strace $0x90000048  }
0xbc: {  	_ =	sfence  }
0xbd: {  	s30 =	sld [smem:$0x0];
	_ =	sdelay $0x2  }
0xbe: {  	s31 =	sshll.u32 s1, $0xD;
	s1 =	sshrl.u32 s1, $0x2  }
0xbf: {  	s3 =	sand.u32 $0x4000, s31;
	s1 =	sadd.s32 s1, s30  }
0xc0: {  	s0 =	sor.u32 s3, s0;
	s1 =	sshll.u32 s1, $0x11  }
0xc1: {  	s0 =	sor.u32 s1, s0  }
0xc2: {  	s0 =	sadd.s32 $0x8F2B, s0  }
0xc3: {  	[sflag:s0] =	ssyncadd.remote.s32 $0x1  }
0xc4: {  	_ =	sfence.sel $0xFFFF  }
0xc5: {  	[dreg:$0x0] =	wrdreg $0xFFFFFFFF;
	(pc) =	sbr.abs _section_cstart, $3  }
0xc6: {  	[dreg:$0x1] =	wrdreg $0xFFFFFFFF  }
0xc7: {  	_ =	task.clear_ibuf [dreg:s7], $0x2FFFF;
	_ =	strace $0x9FFFFFFF  }
0xc8: {  	(tm) =	ssettm $0x7FFFFFFF  }
0xc9: {  	_ =	shalt  }
tec
execute0_lowered:
.L_overlay_start_1:
0x0: {  	(tag) =	ssettag $0x1  }
0x1: {  	s4 =	rddreg [dreg:$0x0]  }
0x2: {  	s7 =	rddreg [dreg:$0x1]  }
0x3: {  	s0 =	rddreg [dreg:$0x2];
	s2 =	simm.s32 $0x0  }
0x4: {  	s1 =	stileid.u32;
	s3 =	srdreg.scid;
	s12 =	simm.s32 $0x1  }
0x5: {  	s13 =	simm.s32 $0x1080;
	s14 =	simm.s32 $0x1100;
	s15 =	simm.s32 $0x0  }
0x6: {  	[smem:$0x7FF] =	sst s2;
	s5 =	sshll.u32 s1, $0xA;
	s8 =	sand.u32 $0x1, s3  }
0x7: {  	s3 =	sadd.s32 $0x104A00, s4;
	s30 =	smul.u32 $0xC00, s1;
	s11 =	sshll.u32 s1, $0xC  }
0x8: {  	_ =	strace $0x80000047;
	s5 =	sadd.s32 s5, s4;
	s6 =	ssub.s32 $0x2, s8  }
0x9: {  	s4 =	sadd.s32 $0xA00, s4;
	s10 =	sshll.u32 s8, $0x9;
	s31 =	smul.u32 $0x600, s8  }
0xa: {  	s8 =	sshll.u32 s8, $0xB;
	s9 =	sshrl.u32 s6, $0x1;
	s29 =	sadd.s32 s10, s5  }
0xb: {  	s10 =	sadd.s32 s30, s7;
	s7 =	sor.u32 s8, s11;
	s11 =	simm.s32 $0x80  }
0xc: {  	s6 =	ssub.s32 s6, s9;
	s8 =	sadd.s32 s31, s10;
	s9 =	simm.s32 $0x2  }
0xd: {  	s10 =	simm.s32 $0x20;
	s5 =	smax.u32 s6, $0x1;
	s6 =	sadd.s32 $0x100A00, s29  }
.LBB2_1:
0xe: {  	[tilespmem:s2], [sflag:$0x2] =	stream.linear.gather [hbm4b:s6+s2], $0x20, $0x38;
	[tilespmem:$0x1180] =	vst v63  }
0xf: {  	_ =	swait.ge [sflag:s9], $0x20  }
0x10: {  	[sflag:s9] =	ssyncset.done $0x0  }
0x11: {  	[sflag:s9] =	ssyncadd.s32 $0xFFFFFFE0  }
0x12: {  	[tilespmem:s11], [sflag:$0x1] =	stream.indirect.gather [hbm4b:s3+s10], $0x80, s2, s10, $0xb8;
	[tilespmem:$0x1180] =	vst v63  }
0x13: {  	s16 =	sadd.s32 $0x0, s7;
	s17 =	sand.u32 $0x70, s2;
	_ =	swait.ge [sflag:s12], $0x1000  }
0x14: {  	s16 =	sand.u32 $0xFF80, s16;
	s17 =	sadd.s32 s4, s17;
	[sflag:s12] =	ssyncset.done $0x0  }
0x15: {  	s16 =	sadd.s32 s16, s17;
	[sflag:s12] =	ssyncadd.s32 $0xFFFFF000  }
0x16: {  	[tilespmem:s13], [sflag:$0x2] =	stream.linear.gather [hbm4b:s16+s2], $0x80, $0x38;
	[tilespmem:$0x1180] =	vst v63  }
0x17: {  	_ =	swait.ge [sflag:s9], $0x80  }
0x18: {  	[sflag:s9] =	ssyncset.done $0x0  }
0x19: {  	[sflag:s9] =	ssyncadd.s32 $0xFFFFFF80  }
0x1a: {  	v0 =	vld [tilespmem:$0x1080]  }
0x1b: {  	v1 =	vld [tilespmem:$0x80]  }
0x1c: {  	v2 =	vld [tilespmem:$0x100]  }
0x1d: {  	v3 =	vld [tilespmem:$0x180]  }
0x1e: {  	v4 =	vld [tilespmem:$0x200]  }
0x1f: {  	v5 =	vld [tilespmem:$0x280]  }
0x20: {  	v6 =	vld [tilespmem:$0x300];
	v1 =	vsub.f32 v1, v0  }
0x21: {  	v7 =	vld [tilespmem:$0x380];
	v2 =	vsub.f32 v2, v0  }
0x22: {  	v8 =	vld [tilespmem:$0x400];
	v3 =	vsub.f32 v3, v0;
	[tilespmem:$0x1100] =	vst v1  }
0x23: {  	v13 =	vld [tilespmem:$0x480];
	v12 =	vsub.f32 v4, v0;
	[tilespmem:$0x1103] =	vst v2  }
0x24: {  	v15 =	vld [tilespmem:$0x500];
	v14 =	vsub.f32 v5, v0;
	[tilespmem:$0x1106] =	vst v3  }
0x25: {  	v17 =	vld [tilespmem:$0x580];
	v16 =	vsub.f32 v6, v0;
	[tilespmem:$0x1109] =	vst v12  }
0x26: {  	v19 =	vld [tilespmem:$0x600];
	v18 =	vsub.f32 v7, v0;
	[tilespmem:$0x110C] =	vst v14  }
0x27: {  	v21 =	vld [tilespmem:$0x680];
	v20 =	vsub.f32 v8, v0;
	[tilespmem:$0x110F] =	vst v16  }
0x28: {  	v23 =	vld [tilespmem:$0x700];
	v22 =	vsub.f32 v13, v0;
	[tilespmem:$0x1112] =	vst v18  }
0x29: {  	v25 =	vld [tilespmem:$0x780];
	v24 =	vsub.f32 v15, v0;
	[tilespmem:$0x1115] =	vst v20  }
0x2a: {  	v27 =	vld [tilespmem:$0x800];
	v26 =	vsub.f32 v17, v0;
	[tilespmem:$0x1118] =	vst v22  }
0x2b: {  	v29 =	vld [tilespmem:$0x880];
	v28 =	vsub.f32 v19, v0;
	[tilespmem:$0x111B] =	vst v24  }
0x2c: {  	v31 =	vld [tilespmem:$0x900];
	v30 =	vsub.f32 v21, v0;
	[tilespmem:$0x111E] =	vst v26  }
0x2d: {  	v33 =	vld [tilespmem:$0x980];
	v32 =	vsub.f32 v23, v0;
	[tilespmem:$0x1121] =	vst v28  }
0x2e: {  	v35 =	vld [tilespmem:$0xA00];
	v34 =	vsub.f32 v25, v0;
	[tilespmem:$0x1124] =	vst v30  }
0x2f: {  	v37 =	vld [tilespmem:$0xA80];
	v36 =	vsub.f32 v27, v0;
	[tilespmem:$0x1127] =	vst v32  }
0x30: {  	v39 =	vld [tilespmem:$0xB00];
	v38 =	vsub.f32 v29, v0;
	[tilespmem:$0x112A] =	vst v34  }
0x31: {  	v41 =	vld [tilespmem:$0xB80];
	v40 =	vsub.f32 v31, v0;
	[tilespmem:$0x112D] =	vst v36  }
0x32: {  	v43 =	vld [tilespmem:$0xC00];
	v42 =	vsub.f32 v33, v0;
	[tilespmem:$0x1130] =	vst v38  }
0x33: {  	v45 =	vld [tilespmem:$0xC80];
	v44 =	vsub.f32 v35, v0;
	[tilespmem:$0x1133] =	vst v40  }
0x34: {  	v47 =	vld [tilespmem:$0xD00];
	v46 =	vsub.f32 v37, v0;
	[tilespmem:$0x1136] =	vst v42  }
0x35: {  	v49 =	vld [tilespmem:$0xD80];
	v48 =	vsub.f32 v39, v0;
	[tilespmem:$0x1139] =	vst v44  }
0x36: {  	v51 =	vld [tilespmem:$0xE00];
	v50 =	vsub.f32 v41, v0;
	[tilespmem:$0x113C] =	vst v46  }
0x37: {  	v53 =	vld [tilespmem:$0xE80];
	v52 =	vsub.f32 v43, v0;
	[tilespmem:$0x113F] =	vst v48  }
0x38: {  	v55 =	vld [tilespmem:$0xF00];
	v54 =	vsub.f32 v45, v0;
	[tilespmem:$0x1142] =	vst v50  }
0x39: {  	v57 =	vld [tilespmem:$0xF80];
	v56 =	vsub.f32 v47, v0;
	[tilespmem:$0x1145] =	vst v52  }
0x3a: {  	v59 =	vld [tilespmem:$0x1000];
	v58 =	vsub.f32 v49, v0;
	[tilespmem:$0x1148] =	vst v54  }
0x3b: {  	v60 =	vsub.f32 v51, v0;
	[tilespmem:$0x114B] =	vst v56  }
0x3c: {  	v61 =	vsub.f32 v53, v0;
	[tilespmem:$0x114E] =	vst v58  }
0x3d: {  	v62 =	vsub.f32 v55, v0;
	[tilespmem:$0x1151] =	vst v60  }
0x3e: {  	v63 =	vsub.f32 v57, v0;
	[tilespmem:$0x1154] =	vst v61  }
0x3f: {  	v0 =	vsub.f32 v59, v0;
	[tilespmem:$0x1157] =	vst v62  }
0x40: {  	[tilespmem:$0x115A] =	vst v63  }
0x41: {  	s18 =	smov.u32 s8;
	s17 =	smov.u32 s6;
	s16 =	simm.s32 $0x10;
	[tilespmem:$0x115D] =	vst v0  }
0x42: {  	[hbm4b:s8+s2] =	stream.linear.scatter [tilespmem:s14], [sflag:$0x2], $0x60, $0x38;
	[tilespmem:$0x1180] =	vst v63  }
.LBB2_2:
0x43: {  	_ =	swait.ge [sflag:s9], $0x60  }
0x44: {  	s17 =	sadd.s32 $0x4, s17;
	s18 =	sadd.s32 $0xC, s18;
	s19 =	smov.u32 s16  }
0x45: {  	p0 =	sne.s32 s16, $0x7F0;
	s16 =	sadd.s32 $0x10, s16;
	[sflag:s9] =	ssyncset.done $0x0  }
0x46: {  	[sflag:s9] =	ssyncadd.s32 $0xFFFFFFA0  }
0x47: {  	[tilespmem:s2], [sflag:$0x2] =	stream.linear.gather [hbm4b:s17+s2], $0x20, $0x38;
	[tilespmem:$0x1180] =	vst v63  }
0x48: {  	_ =	swait.ge [sflag:s9], $0x20  }
0x49: {  	[sflag:s9] =	ssyncset.done $0x0  }
0x4a: {  	[sflag:s9] =	ssyncadd.s32 $0xFFFFFFE0  }
0x4b: {  	[tilespmem:s11], [sflag:$0x1] =	stream.indirect.gather [hbm4b:s3+s10], $0x80, s2, s10, $0xb8;
	[tilespmem:$0x1180] =	vst v63  }
0x4c: {  	s20 =	sadd.s32 s19, s7;
	s19 =	sand.u32 $0x70, s19;
	_ =	swait.ge [sflag:s12], $0x1000  }
0x4d: {  	s20 =	sand.u32 $0xFF80, s20;
	s19 =	sadd.s32 s4, s19;
	[sflag:s12] =	ssyncset.done $0x0  }
0x4e: {  	s19 =	sadd.s32 s20, s19;
	[sflag:s12] =	ssyncadd.s32 $0xFFFFF000  }
0x4f: {  	[tilespmem:s13], [sflag:$0x2] =	stream.linear.gather [hbm4b:s19+s2], $0x80, $0x38;
	[tilespmem:$0x1180] =	vst v63  }
0x50: {  	_ =	swait.ge [sflag:s9], $0x80  }
0x51: {  	[sflag:s9] =	ssyncset.done $0x0  }
0x52: {  	[sflag:s9] =	ssyncadd.s32 $0xFFFFFF80  }
0x53: {  	v0 =	vld [tilespmem:$0x100]  }
0x54: {  	v1 =	vld [tilespmem:$0x1080]  }
0x55: {  	v2 =	vld [tilespmem:$0x80]  }
0x56: {  	v3 =	vld [tilespmem:$0x180]  }
0x57: {  	v4 =	vld [tilespmem:$0x200]  }
0x58: {  	v5 =	vld [tilespmem:$0x280]  }
0x59: {  	v0 =	vsub.f32 v0, v1;
	v6 =	vld [tilespmem:$0x300]  }
0x5a: {  	v2 =	vsub.f32 v2, v1;
	v7 =	vld [tilespmem:$0x380]  }
0x5b: {  	v3 =	vsub.f32 v3, v1;
	v8 =	vld [tilespmem:$0x400]  }
0x5c: {  	[tilespmem:$0x1100] =	vst v2;
	v2 =	vsub.f32 v4, v1;
	v4 =	vld [tilespmem:$0x480]  }
0x5d: {  	[tilespmem:$0x1103] =	vst v0;
	v0 =	vsub.f32 v5, v1;
	v5 =	vld [tilespmem:$0x500]  }
0x5e: {  	[tilespmem:$0x1106] =	vst v3;
	v3 =	vsub.f32 v6, v1;
	v6 =	vld [tilespmem:$0x580]  }
0x5f: {  	[tilespmem:$0x1109] =	vst v2;
	v2 =	vsub.f32 v7, v1;
	v7 =	vld [tilespmem:$0x600]  }
0x60: {  	[tilespmem:$0x110C] =	vst v0;
	v0 =	vsub.f32 v8, v1;
	v8 =	vld [tilespmem:$0x680]  }
0x61: {  	[tilespmem:$0x110F] =	vst v3;
	v3 =	vsub.f32 v4, v1;
	v4 =	vld [tilespmem:$0x700]  }
0x62: {  	[tilespmem:$0x1112] =	vst v2;
	v2 =	vsub.f32 v5, v1;
	v5 =	vld [tilespmem:$0x780]  }
0x63: {  	[tilespmem:$0x1115] =	vst v0;
	v0 =	vsub.f32 v6, v1;
	v6 =	vld [tilespmem:$0x800]  }
0x64: {  	[tilespmem:$0x1118] =	vst v3;
	v3 =	vsub.f32 v7, v1;
	v7 =	vld [tilespmem:$0x880]  }
0x65: {  	[tilespmem:$0x111B] =	vst v2;
	v2 =	vsub.f32 v8, v1;
	v8 =	vld [tilespmem:$0x900]  }
0x66: {  	[tilespmem:$0x111E] =	vst v0;
	v0 =	vsub.f32 v4, v1;
	v4 =	vld [tilespmem:$0x980]  }
0x67: {  	[tilespmem:$0x1121] =	vst v3;
	v3 =	vsub.f32 v5, v1;
	v5 =	vld [tilespmem:$0xA00]  }
0x68: {  	[tilespmem:$0x1124] =	vst v2;
	v2 =	vsub.f32 v6, v1;
	v6 =	vld [tilespmem:$0xA80]  }
0x69: {  	[tilespmem:$0x1127] =	vst v0;
	v0 =	vsub.f32 v7, v1;
	v7 =	vld [tilespmem:$0xB00]  }
0x6a: {  	[tilespmem:$0x112A] =	vst v3;
	v3 =	vsub.f32 v8, v1;
	v8 =	vld [tilespmem:$0xB80]  }
0x6b: {  	[tilespmem:$0x112D] =	vst v2;
	v2 =	vsub.f32 v4, v1;
	v4 =	vld [tilespmem:$0xC00]  }
0x6c: {  	[tilespmem:$0x1130] =	vst v0;
	v0 =	vsub.f32 v5, v1;
	v5 =	vld [tilespmem:$0xC80]  }
0x6d: {  	[tilespmem:$0x1133] =	vst v3;
	v3 =	vsub.f32 v6, v1;
	v6 =	vld [tilespmem:$0xD00]  }
0x6e: {  	[tilespmem:$0x1136] =	vst v2;
	v2 =	vsub.f32 v7, v1;
	v7 =	vld [tilespmem:$0xD80]  }
0x6f: {  	[tilespmem:$0x1139] =	vst v0;
	v0 =	vsub.f32 v8, v1;
	v8 =	vld [tilespmem:$0xE00]  }
0x70: {  	[tilespmem:$0x113C] =	vst v3;
	v3 =	vsub.f32 v4, v1;
	v4 =	vld [tilespmem:$0xE80]  }
0x71: {  	[tilespmem:$0x113F] =	vst v2;
	v2 =	vsub.f32 v5, v1;
	v5 =	vld [tilespmem:$0xF00]  }
0x72: {  	[tilespmem:$0x1142] =	vst v0;
	v0 =	vsub.f32 v6, v1;
	v6 =	vld [tilespmem:$0xF80]  }
0x73: {  	[tilespmem:$0x1145] =	vst v3;
	v3 =	vsub.f32 v7, v1;
	v7 =	vld [tilespmem:$0x1000]  }
0x74: {  	[tilespmem:$0x1148] =	vst v2;
	v2 =	vsub.f32 v8, v1  }
0x75: {  	[tilespmem:$0x114B] =	vst v0;
	v0 =	vsub.f32 v4, v1  }
0x76: {  	[tilespmem:$0x114E] =	vst v3;
	v3 =	vsub.f32 v5, v1  }
0x77: {  	[tilespmem:$0x1151] =	vst v2;
	v2 =	vsub.f32 v6, v1  }
.Ltmp0:
0x78: {  	[tilespmem:$0x1154] =	vst v0;
	v0 =	vsub.f32 v7, v1;
	(pc) =	sbr.rel @p0 .LBB2_2-.Ltmp0, $4  }
0x79: {  	[tilespmem:$0x1157] =	vst v3  }
0x7a: {  	[tilespmem:$0x115A] =	vst v2  }
0x7b: {  	[tilespmem:$0x115D] =	vst v0  }
0x7c: {  	[hbm4b:s18+s2] =	stream.linear.scatter [tilespmem:s14], [sflag:$0x2], $0x60, $0x38;
	[tilespmem:$0x1180] =	vst v63  }
0x7d: {  	s15 =	sadd.s32 $0x1, s15  }
0x7e: {  	p0 =	sne.s32 s15, s5  }
.Ltmp1:
0x7f: {  	_ = 	snop;
	(pc) =	sbr.rel @p0 .LBB2_1-.Ltmp1, $4  }
0x80: {  	_ = 	snop  }
0x81: {  	_ =	swait.ge [sflag:s9], $0x60  }
0x82: {  	[sflag:s9] =	ssyncset.done $0x0  }
0x83: {  	[sflag:s9] =	ssyncadd.s32 $0xFFFFFFA0  }
0x84: {  	_ =	sfence.sel $0x180000  }
0x85: {  	[bflag:$0x0] =	sbarrier.arrive $0xFFFF  }
0x86: {  	p0 =	sne.s32 s1, $0x0;
	_ =	strace $0x90000047  }
0x87: {  	s0 =	sadd.s32 @!p0 $0x100000, s0;
	[bflag:$0x2] =	sbarrier.arrive $0xFFFF  }
0x88: {  	[sflag:s0] =	ssyncadd.tile.s32 @!p0 $0x1;
	_ =	shalt  }
.Lfunc_end2:
_tile_overlayer_lowered:
.L_overlay_start_2:
0x89: {  	(tag) =	ssettag $0x2  }
0x8a: {  	s0 =	rddreg [dreg:$0x0];
	s2 =	stileid.u32  }
0x8b: {  	s1 =	rddreg [dreg:$0x1];
	p0 =	sne.s32 s2, $0x0  }
0x8c: {  	s3 =	rddreg [dreg:$0x2];
	[bflag:$0x3] =	sbarrier.arrive $0xFFFF;
	s2 =	simm.s32 @!p0 $0x1C02  }
0x8d: {  	[timem:s3], [sflag:s2] =	dma.local @!p0 [hbm:s0], s1  }
0x8e: {  	s0 =	simm.s32 @!p0 $0x2  }
0x8f: {  	_ =	swait.ge @!p0 [sflag:s0], s1  }
0x90: {  	s1 =	ssub.s32 @!p0 $0x0, s1;
	[sflag:s0] =	ssyncset.done @!p0 $0x0  }
0x91: {  	[sflag:s0] =	ssyncadd.s32 @!p0 s1  }
0x92: {  	[bflag:$0x3] =	sbarrier.arrive $0xFFFF  }
0x93: {  	_ =	shalt  }

</sc_bundles>
